<compile_context>
chip_gen: v7x
topology: tpu7x:2x2x1
jax: 0.10.2.dev20260603
libtpu: 0.0.44.dev20260713+nightly
codegen_flags: <defaults>
</compile_context>

<pallas_src>
import functools

import jax
import jax.numpy as jnp
from jax import lax
from jax.experimental import pallas as pl
from jax.experimental.pallas import tpu as pltpu
from jax.experimental.pallas import tpu_sc as plsc

D_MODEL = 1024
FFN = 2048
N_EXPERTS = 8
TOP_K = 2
TILE = 512
ROW_TILE = 256

SC_CORES = 2
SC_SUBCORES = 16
NW = SC_CORES * SC_SUBCORES


def _router_kernel(x_ref, gw_ref, b_ref, meta_ref, wa_ref, wb_ref, cnt_ref,
                   run_ref):
    t = pl.program_id(0)

    @pl.when(t == 0)
    def _():
        run_ref[...] = jnp.zeros_like(run_ref)

    x = x_ref[...]
    gw = gw_ref[...]
    logits = lax.dot_general(x, gw, (((1,), (1,)), ((), ())),
                             preferred_element_type=jnp.float32)
    m = jnp.max(logits, axis=-1, keepdims=True)
    e = jnp.exp(logits - m)
    b = logits + b_ref[...]
    lane = lax.broadcasted_iota(jnp.int32, b.shape, 1)
    v1 = jnp.max(b, axis=-1, keepdims=True)
    i1 = jnp.min(jnp.where(b == v1, lane, N_EXPERTS), axis=-1, keepdims=True)
    oh1 = (lane == i1).astype(jnp.float32)
    b2 = jnp.where(oh1 > 0, -1e30, b)
    v2 = jnp.max(b2, axis=-1, keepdims=True)
    i2 = jnp.min(jnp.where(b2 == v2, lane, N_EXPERTS), axis=-1, keepdims=True)
    oh2 = (lane == i2).astype(jnp.float32)
    e1 = jnp.sum(e * oh1, axis=-1, keepdims=True)
    e2 = jnp.sum(e * oh2, axis=-1, keepdims=True)
    s = e1 + e2
    w1 = e1 / s
    w2 = e2 / s
    maskf = oh1 + oh2
    r_i = lax.broadcasted_iota(jnp.int32, (ROW_TILE, ROW_TILE), 0)
    c_i = lax.broadcasted_iota(jnp.int32, (ROW_TILE, ROW_TILE), 1)
    tri = (r_i >= c_i).astype(jnp.float32)
    local = lax.dot_general(tri, maskf, (((1,), (0,)), ((), ())),
                            preferred_element_type=jnp.float32)
    run0 = run_ref[...][0:1, :]
    rank = local + run0 - 1.0
    new_run = run0 + local[ROW_TILE - 1:ROW_TILE, :]
    run_ref[...] = jnp.broadcast_to(new_run, (N_EXPERTS, N_EXPERTS))
    cnt_ref[...] = jnp.broadcast_to(new_run, (N_EXPERTS, N_EXPERTS))
    i1f = i1.astype(jnp.float32)
    i2f = i2.astype(jnp.float32)
    i_lo = jnp.minimum(i1f, i2f)
    i_hi = jnp.maximum(i1f, i2f)
    lo_is_1 = (i1 < i2).astype(jnp.float32)
    w_lo = lo_is_1 * w1 + (1.0 - lo_is_1) * w2
    w_hi = lo_is_1 * w2 + (1.0 - lo_is_1) * w1
    oh_lo = (lane.astype(jnp.float32) == i_lo).astype(jnp.float32)
    oh_hi = (lane.astype(jnp.float32) == i_hi).astype(jnp.float32)
    rank_lo = jnp.sum(rank * oh_lo, axis=-1, keepdims=True)
    rank_hi = jnp.sum(rank * oh_hi, axis=-1, keepdims=True)
    l0 = (lane == 0).astype(jnp.float32)
    l1 = (lane == 1).astype(jnp.float32)
    l2 = (lane == 2).astype(jnp.float32)
    l3 = (lane == 3).astype(jnp.float32)
    meta_ref[...] = l0 * rank_lo + l1 * rank_hi + l2 * i_lo + l3 * i_hi
    wa_ref[...] = jnp.broadcast_to(w_lo, (ROW_TILE, 16))
    wb_ref[...] = jnp.broadcast_to(w_hi, (ROW_TILE, 16))


def _run_router(flat_x, gate_w, expert_bias):
    n = flat_x.shape[0]
    grid = (n // ROW_TILE,)
    return pl.pallas_call(
        _router_kernel,
        grid=grid,
        in_specs=[
            pl.BlockSpec((ROW_TILE, D_MODEL), lambda t: (t, 0)),
            pl.BlockSpec((N_EXPERTS, D_MODEL), lambda t: (0, 0)),
            pl.BlockSpec((1, N_EXPERTS), lambda t: (0, 0)),
        ],
        out_specs=[
            pl.BlockSpec((ROW_TILE, N_EXPERTS), lambda t: (t, 0)),
            pl.BlockSpec((ROW_TILE, 16), lambda t: (t, 0)),
            pl.BlockSpec((ROW_TILE, 16), lambda t: (t, 0)),
            pl.BlockSpec((N_EXPERTS, N_EXPERTS), lambda t: (0, 0)),
        ],
        out_shape=[
            jax.ShapeDtypeStruct((n, N_EXPERTS), jnp.float32),
            jax.ShapeDtypeStruct((n, 16), jnp.float32),
            jax.ShapeDtypeStruct((n, 16), jnp.float32),
            jax.ShapeDtypeStruct((N_EXPERTS, N_EXPERTS), jnp.float32),
        ],
        scratch_shapes=[pltpu.VMEM((N_EXPERTS, N_EXPERTS), jnp.float32)],
    )(flat_x, gate_w, expert_bias.reshape(1, N_EXPERTS))


def _ffn_kernel(te_ref, nlive_ref, xs_ref, wg_ref, wu_ref, wd_ref, ys_ref):
    t = pl.program_id(0)

    @pl.when(t < nlive_ref[0])
    def _():
        x = xs_ref[...].astype(jnp.bfloat16)
        g = lax.dot_general(x, wg_ref[0], (((1,), (1,)), ((), ())),
                            preferred_element_type=jnp.float32)
        u = lax.dot_general(x, wu_ref[0], (((1,), (1,)), ((), ())),
                            preferred_element_type=jnp.float32)
        h = ((g * jax.nn.sigmoid(g)) * u).astype(jnp.bfloat16)
        ys_ref[...] = lax.dot_general(h, wd_ref[0], (((1,), (1,)), ((), ())),
                                      preferred_element_type=jnp.float32)


def _run_ffn(xs, w_gate, w_up, w_down, tile_expert, nlive, pp):
    nt = pp // TILE
    grid_spec = pltpu.PrefetchScalarGridSpec(
        num_scalar_prefetch=2,
        grid=(nt,),
        in_specs=[
            pl.BlockSpec((TILE, D_MODEL), lambda t, te, nl: (t, 0)),
            pl.BlockSpec((1, FFN, D_MODEL), lambda t, te, nl: (te[t], 0, 0)),
            pl.BlockSpec((1, FFN, D_MODEL), lambda t, te, nl: (te[t], 0, 0)),
            pl.BlockSpec((1, D_MODEL, FFN), lambda t, te, nl: (te[t], 0, 0)),
        ],
        out_specs=pl.BlockSpec((TILE, D_MODEL), lambda t, te, nl: (t, 0)),
    )
    return pl.pallas_call(
        _ffn_kernel,
        grid_spec=grid_spec,
        out_shape=jax.ShapeDtypeStruct((pp, D_MODEL), jnp.float32),
        compiler_params=pltpu.CompilerParams(
            vmem_limit_bytes=100 * 1024 * 1024),
    )(tile_expert, nlive, xs, w_gate.astype(jnp.bfloat16),
      w_up.astype(jnp.bfloat16), w_down.astype(jnp.bfloat16))


def _dispatch_scatter_sc(xdup, slot_pair, pp):
    p2, d = xdup.shape
    per_w = p2 // NW
    ch = 64
    mesh = plsc.VectorSubcoreMesh(core_axis_name="c", subcore_axis_name="s")

    @functools.partial(
        pl.kernel, mesh=mesh,
        out_type=jax.ShapeDtypeStruct((pp, d), jnp.float32),
        scratch_types=[
            pltpu.VMEM((ch,), jnp.int32),
            pltpu.VMEM((ch, d), jnp.float32),
            pltpu.SemaphoreType.DMA,
        ],
    )
    def k(xdup_hbm, sp_hbm, xs_hbm, idx_v, rows_v, sem):
        wid = lax.axis_index("s") * SC_CORES + lax.axis_index("c")
        base = wid * per_w
        for j in range(per_w // ch):
            off = base + j * ch
            pltpu.sync_copy(sp_hbm.at[pl.ds(off, ch)], idx_v)
            pltpu.sync_copy(xdup_hbm.at[pl.ds(off, ch)], rows_v)
            pltpu.async_copy(rows_v, xs_hbm.at[idx_v], sem).wait()

    return k(xdup, slot_pair)


def _combine_sc(ys, s_a, s_b, wa16, wb16):
    n = s_a.shape[0]
    d = ys.shape[1]
    per_w = n // NW
    ch = 32
    mesh = plsc.VectorSubcoreMesh(core_axis_name="c", subcore_axis_name="s")

    @functools.partial(
        pl.kernel, mesh=mesh,
        out_type=jax.ShapeDtypeStruct((n, d), jnp.float32),
        scratch_types=[
            pltpu.VMEM((ch,), jnp.int32),
            pltpu.VMEM((ch,), jnp.int32),
            pltpu.VMEM((ch, d), jnp.float32),
            pltpu.VMEM((ch, d), jnp.float32),
            pltpu.VMEM((ch, 16), jnp.float32),
            pltpu.VMEM((ch, 16), jnp.float32),
            pltpu.SemaphoreType.DMA,
        ],
    )
    def k(ys_hbm, sa_hbm, sb_hbm, wa_hbm, wb_hbm, out_hbm,
          ia_v, ib_v, a_v, b_v, wa_v, wb_v, sem):
        wid = lax.axis_index("s") * SC_CORES + lax.axis_index("c")
        base = wid * per_w
        for j in range(per_w // ch):
            off = base + j * ch
            pltpu.sync_copy(sa_hbm.at[pl.ds(off, ch)], ia_v)
            pltpu.sync_copy(sb_hbm.at[pl.ds(off, ch)], ib_v)
            pltpu.sync_copy(wa_hbm.at[pl.ds(off, ch)], wa_v)
            pltpu.sync_copy(wb_hbm.at[pl.ds(off, ch)], wb_v)
            ca = pltpu.async_copy(ys_hbm.at[ia_v], a_v, sem)
            cb = pltpu.async_copy(ys_hbm.at[ib_v], b_v, sem)
            ca.wait()
            cb.wait()

            @pl.loop(0, ch)
            def _(r):
                wa = wa_v[r, :]
                wb = wb_v[r, :]

                @pl.loop(0, d, step=64)
                def _(c):
                    for u in range(4):
                        sl = pl.ds(c + u * 16, 16)
                        a_v[r, sl] = a_v[r, sl] * wa + b_v[r, sl] * wb

            pltpu.sync_copy(a_v, out_hbm.at[pl.ds(off, ch)])

    return k(ys, s_a, s_b, wa16, wb16)


def kernel(x, gate_w, w_gate, w_up, w_down, expert_bias):
    bb, ss, dd = x.shape
    n = bb * ss
    pp = TOP_K * n + N_EXPERTS * TILE
    flat_x = x.reshape(n, dd)

    meta, wa16, wb16, cntf = _run_router(flat_x, gate_w, expert_bias)

    counts = cntf[0].astype(jnp.int32)
    padded = ((counts + TILE - 1) // TILE) * TILE
    ends = jnp.cumsum(padded)
    poff = ends - padded
    poff_f = poff.astype(jnp.float32)
    eids = jnp.arange(N_EXPERTS, dtype=jnp.float32)
    off_a = jnp.sum((meta[:, 2:3] == eids[None, :]) * poff_f[None, :], axis=1)
    off_b = jnp.sum((meta[:, 3:4] == eids[None, :]) * poff_f[None, :], axis=1)
    s_a = (meta[:, 0] + off_a).astype(jnp.int32)
    s_b = (meta[:, 1] + off_b).astype(jnp.int32)
    slot_pair = jnp.stack([s_a, s_b], axis=1).reshape(-1)
    nt = pp // TILE
    tile_starts = jnp.arange(nt, dtype=jnp.int32) * TILE
    tile_expert = jnp.minimum(
        jnp.sum((tile_starts[:, None] >= ends[None, :]).astype(jnp.int32),
                axis=1), N_EXPERTS - 1).astype(jnp.int32)
    nlive = (ends[-1] // TILE).astype(jnp.int32).reshape(1)
    xdup = jnp.broadcast_to(flat_x[:, None, :], (n, TOP_K, dd)).reshape(
        TOP_K * n, dd)

    xs = _dispatch_scatter_sc(xdup, slot_pair, pp)

    ys = _run_ffn(xs, w_gate, w_up, w_down, tile_expert, nlive, pp)

    out = _combine_sc(ys, s_a, s_b, wa16, wb16)
    return out.reshape(bb, ss, dd)

# --- scband reference (transcript-rebuilt; emitter-appended) ---
"""Pipeline reference for scband-mo-elayer-8065948582286 (READ-ONLY COPY).

The authoritative reference and input builder live on the scoring server;
editing this copy changes nothing except your own understanding.
"""

import jax, jax.numpy as jnp
import numpy as np

D_MODEL = 1024
FFN = 2048
N_EXPERTS = 8
TOP_K = 2
B, S = 1, 2048


def setup_inputs(seed: int = 0) -> dict:
    key = jax.random.key(seed)
    ks = jax.random.split(key, 6)
    x = jax.random.normal(ks[0], (B, S, D_MODEL), dtype=jnp.float32)
    s_in = 1.0 / np.sqrt(D_MODEL)
    s_ffn = 1.0 / np.sqrt(FFN)
    gate_w = jax.random.normal(ks[1], (N_EXPERTS, D_MODEL), dtype=jnp.float32) * s_in
    w_gate = jax.random.normal(ks[2], (N_EXPERTS, FFN, D_MODEL), dtype=jnp.float32) * s_in
    w_up = jax.random.normal(ks[3], (N_EXPERTS, FFN, D_MODEL), dtype=jnp.float32) * s_in
    w_down = jax.random.normal(ks[4], (N_EXPERTS, D_MODEL, FFN), dtype=jnp.float32) * s_ffn
    expert_bias = jnp.zeros((N_EXPERTS,), dtype=jnp.float32)
    return {"x": x, "gate_w": gate_w, "w_gate": w_gate, "w_up": w_up, "w_down": w_down, "expert_bias": expert_bias}


def reference(x, gate_w, w_gate, w_up, w_down, expert_bias):
    Bb, Ss, Dd = x.shape
    flat_x = x.reshape(-1, Dd)
    N = flat_x.shape[0]
    # Router
    router_logits = flat_x @ gate_w.T                      # [N, E]
    router_probs = jax.nn.softmax(router_logits, axis=-1)  # [N, E]
    biased_logits = router_logits + expert_bias            # bias only affects selection
    _, top_indices = jax.lax.top_k(biased_logits, TOP_K)   # [N, K]
    top_weights = jnp.take_along_axis(router_probs, top_indices, axis=-1)  # [N, K]
    top_weights = top_weights / jnp.sum(top_weights, axis=-1, keepdims=True)
    # Scatter combine weights into dense [N, E] matrix (equivalent to sort+split dispatch)
    rows = jnp.repeat(jnp.arange(N), TOP_K)
    combine = jnp.zeros((N, N_EXPERTS), dtype=flat_x.dtype)
    combine = combine.at[rows, top_indices.reshape(-1)].add(top_weights.reshape(-1))
    # Experts (SwiGLU), combined with routing weights; tokens with weight 0 contribute nothing
    out = jnp.zeros_like(flat_x)
    for e in range(N_EXPERTS):
        h = jax.nn.silu(flat_x @ w_gate[e].T) * (flat_x @ w_up[e].T)
        out = out + combine[:, e:e + 1] * (h @ w_down[e].T)
    return out.reshape(Bb, Ss, Dd)

if __name__ == "__main__":
    import jax
    _d = setup_inputs()
    print(jax.jit(kernel)(*tuple(_d.values())))

</pallas_src>

<mosaic_0001>
#map = affine_map<(d0, d1) -> (0, 0)>
#map1 = affine_map<(d0, d1) -> (0)>
module attributes {stable_mosaic.version = 14 : i64} {
  func.func @k(%arg0: i32, %arg1: i32, %arg2: memref<4096x1024xf32, #tpu.memory_space<hbm>>, %arg3: memref<4096xi32, #tpu.memory_space<hbm>>, %arg4: memref<8192x1024xf32, #tpu.memory_space<hbm>>, %arg5: memref<64xi32, #tpu.memory_space<vmem>>, %arg6: memref<64x1024xf32, #tpu.memory_space<vmem>>, %arg7: memref<!tpu.dma_semaphore, #tpu.memory_space<semaphore_mem>>) attributes {dimension_semantics = [#tpu.dimension_semantics<core_parallel>, #tpu.dimension_semantics<subcore_parallel>], iteration_bounds = array<i64: 2, 16>, scalar_prefetch = 0 : i64, scratch_operands = 3 : i64, tpu.core_type = #tpu.core_type<sc_vector_subcore>, window_params = [{transform_indices = #map}, {transform_indices = #map1}, {transform_indices = #map}]} {
    %mul3A = arith.constant 2 : i32
    %mul3A_0 = arith.muli %arg1, %mul3A : i32
    %add3A = arith.addi %mul3A_0, %arg0 : i32
    %mul3A_1 = arith.constant 128 : i32
    %mul3A_2 = arith.muli %add3A, %mul3A_1 : i32
    %add3A_3 = arith.constant 0 : i32
    %add3A_4 = arith.addi %mul3A_2, %add3A_3 : i32
    "tpu.region"() ({
      %run_scoped3A = tpu.sem_alloc : memref<!tpu.dma_semaphore, #tpu.memory_space<semaphore_mem>>
      %dma_start3A_17 = tpu.memref_slice %arg3[%add3A_4] : memref<4096xi32, #tpu.memory_space<hbm>> -> memref<64xi32, #tpu.memory_space<hbm>>
      %dma_start3A_18 = tpu.memref_slice %arg3[%add3A_4] : memref<4096xi32, #tpu.memory_space<hbm>> -> memref<64xi32, #tpu.memory_space<hbm>>
      tpu.enqueue_dma source(%dma_start3A_18 : memref<64xi32, #tpu.memory_space<hbm>>) target(%arg5 : memref<64xi32, #tpu.memory_space<vmem>>) target_semaphore(%run_scoped3A : memref<!tpu.dma_semaphore, #tpu.memory_space<semaphore_mem>>)
      %dma_wait3A_19 = tpu.memref_slice %arg3[%add3A_4] : memref<4096xi32, #tpu.memory_space<hbm>> -> memref<64xi32, #tpu.memory_space<hbm>>
      %dma_wait3A_20 = tpu.memref_slice %arg3[%add3A_4] : memref<4096xi32, #tpu.memory_space<hbm>> -> memref<64xi32, #tpu.memory_space<hbm>>
      tpu.wait_dma2 semaphore(%run_scoped3A : memref<!tpu.dma_semaphore, #tpu.memory_space<semaphore_mem>>) src(%dma_wait3A_20 : memref<64xi32, #tpu.memory_space<hbm>>) dst(%arg5 : memref<64xi32, #tpu.memory_space<vmem>>)
      tpu.yield
    }) : () -> ()
    "tpu.region"() ({
      %run_scoped3A = tpu.sem_alloc : memref<!tpu.dma_semaphore, #tpu.memory_space<semaphore_mem>>
      %dma_start3A_17 = arith.constant 0 : i32
      %dma_start3A_18 = tpu.memref_slice %arg2[%add3A_4, %dma_start3A_17] : memref<4096x1024xf32, #tpu.memory_space<hbm>> -> memref<64x1024xf32, #tpu.memory_space<hbm>>
      %dma_start3A_19 = arith.constant 0 : i32
      %dma_start3A_20 = tpu.memref_slice %arg2[%add3A_4, %dma_start3A_19] : memref<4096x1024xf32, #tpu.memory_space<hbm>> -> memref<64x1024xf32, #tpu.memory_space<hbm>>
      tpu.enqueue_dma source(%dma_start3A_20 : memref<64x1024xf32, #tpu.memory_space<hbm>>) target(%arg6 : memref<64x1024xf32, #tpu.memory_space<vmem>>) target_semaphore(%run_scoped3A : memref<!tpu.dma_semaphore, #tpu.memory_space<semaphore_mem>>)
      %dma_wait3A_21 = arith.constant 0 : i32
      %dma_wait3A_22 = tpu.memref_slice %arg2[%add3A_4, %dma_wait3A_21] : memref<4096x1024xf32, #tpu.memory_space<hbm>> -> memref<64x1024xf32, #tpu.memory_space<hbm>>
      %dma_wait3A_23 = arith.constant 0 : i32
      %dma_wait3A_24 = tpu.memref_slice %arg2[%add3A_4, %dma_wait3A_23] : memref<4096x1024xf32, #tpu.memory_space<hbm>> -> memref<64x1024xf32, #tpu.memory_space<hbm>>
      tpu.wait_dma2 semaphore(%run_scoped3A : memref<!tpu.dma_semaphore, #tpu.memory_space<semaphore_mem>>) src(%dma_wait3A_24 : memref<64x1024xf32, #tpu.memory_space<hbm>>) dst(%arg6 : memref<64x1024xf32, #tpu.memory_space<vmem>>)
      tpu.yield
    }) : () -> ()
    %dma_start3A = arith.constant 0 : i32
    %dma_start3A_5 = arith.constant 0 : i32
    %dma_start3A_6 = tpu.memref_slice %arg4[%dma_start3A, %dma_start3A_5] : memref<8192x1024xf32, #tpu.memory_space<hbm>> -> memref<8192x1024xf32, #tpu.memory_space<hbm>>
    tpu.enqueue_indirect_dma source(%arg6 : memref<64x1024xf32, #tpu.memory_space<vmem>>) target(%dma_start3A_6 : memref<8192x1024xf32, #tpu.memory_space<hbm>>) offsets(%arg5 : memref<64xi32, #tpu.memory_space<vmem>>) semaphore(%arg7 : memref<!tpu.dma_semaphore, #tpu.memory_space<semaphore_mem>>)
    %dma_wait3A = arith.constant 0 : i32
    %dma_wait3A_7 = arith.constant 0 : i32
    %dma_wait3A_8 = tpu.memref_slice %arg4[%dma_wait3A, %dma_wait3A_7] : memref<8192x1024xf32, #tpu.memory_space<hbm>> -> memref<8192x1024xf32, #tpu.memory_space<hbm>>
    tpu.wait_indirect_dma semaphore(%arg7 : memref<!tpu.dma_semaphore, #tpu.memory_space<semaphore_mem>>) src(%arg6 : memref<64x1024xf32, #tpu.memory_space<vmem>>) dst(%dma_wait3A_8 : memref<8192x1024xf32, #tpu.memory_space<hbm>>)
    %add3A_9 = arith.constant 64 : i32
    %add3A_10 = arith.addi %mul3A_2, %add3A_9 : i32
    "tpu.region"() ({
      %run_scoped3A = tpu.sem_alloc : memref<!tpu.dma_semaphore, #tpu.memory_space<semaphore_mem>>
      %dma_start3A_17 = tpu.memref_slice %arg3[%add3A_10] : memref<4096xi32, #tpu.memory_space<hbm>> -> memref<64xi32, #tpu.memory_space<hbm>>
      %dma_start3A_18 = tpu.memref_slice %arg3[%add3A_10] : memref<4096xi32, #tpu.memory_space<hbm>> -> memref<64xi32, #tpu.memory_space<hbm>>
      tpu.enqueue_dma source(%dma_start3A_18 : memref<64xi32, #tpu.memory_space<hbm>>) target(%arg5 : memref<64xi32, #tpu.memory_space<vmem>>) target_semaphore(%run_scoped3A : memref<!tpu.dma_semaphore, #tpu.memory_space<semaphore_mem>>)
      %dma_wait3A_19 = tpu.memref_slice %arg3[%add3A_10] : memref<4096xi32, #tpu.memory_space<hbm>> -> memref<64xi32, #tpu.memory_space<hbm>>
      %dma_wait3A_20 = tpu.memref_slice %arg3[%add3A_10] : memref<4096xi32, #tpu.memory_space<hbm>> -> memref<64xi32, #tpu.memory_space<hbm>>
      tpu.wait_dma2 semaphore(%run_scoped3A : memref<!tpu.dma_semaphore, #tpu.memory_space<semaphore_mem>>) src(%dma_wait3A_20 : memref<64xi32, #tpu.memory_space<hbm>>) dst(%arg5 : memref<64xi32, #tpu.memory_space<vmem>>)
      tpu.yield
    }) : () -> ()
    "tpu.region"() ({
      %run_scoped3A = tpu.sem_alloc : memref<!tpu.dma_semaphore, #tpu.memory_space<semaphore_mem>>
      %dma_start3A_17 = arith.constant 0 : i32
      %dma_start3A_18 = tpu.memref_slice %arg2[%add3A_10, %dma_start3A_17] : memref<4096x1024xf32, #tpu.memory_space<hbm>> -> memref<64x1024xf32, #tpu.memory_space<hbm>>
      %dma_start3A_19 = arith.constant 0 : i32
      %dma_start3A_20 = tpu.memref_slice %arg2[%add3A_10, %dma_start3A_19] : memref<4096x1024xf32, #tpu.memory_space<hbm>> -> memref<64x1024xf32, #tpu.memory_space<hbm>>
      tpu.enqueue_dma source(%dma_start3A_20 : memref<64x1024xf32, #tpu.memory_space<hbm>>) target(%arg6 : memref<64x1024xf32, #tpu.memory_space<vmem>>) target_semaphore(%run_scoped3A : memref<!tpu.dma_semaphore, #tpu.memory_space<semaphore_mem>>)
      %dma_wait3A_21 = arith.constant 0 : i32
      %dma_wait3A_22 = tpu.memref_slice %arg2[%add3A_10, %dma_wait3A_21] : memref<4096x1024xf32, #tpu.memory_space<hbm>> -> memref<64x1024xf32, #tpu.memory_space<hbm>>
      %dma_wait3A_23 = arith.constant 0 : i32
      %dma_wait3A_24 = tpu.memref_slice %arg2[%add3A_10, %dma_wait3A_23] : memref<4096x1024xf32, #tpu.memory_space<hbm>> -> memref<64x1024xf32, #tpu.memory_space<hbm>>
      tpu.wait_dma2 semaphore(%run_scoped3A : memref<!tpu.dma_semaphore, #tpu.memory_space<semaphore_mem>>) src(%dma_wait3A_24 : memref<64x1024xf32, #tpu.memory_space<hbm>>) dst(%arg6 : memref<64x1024xf32, #tpu.memory_space<vmem>>)
      tpu.yield
    }) : () -> ()
    %dma_start3A_11 = arith.constant 0 : i32
    %dma_start3A_12 = arith.constant 0 : i32
    %dma_start3A_13 = tpu.memref_slice %arg4[%dma_start3A_11, %dma_start3A_12] : memref<8192x1024xf32, #tpu.memory_space<hbm>> -> memref<8192x1024xf32, #tpu.memory_space<hbm>>
    tpu.enqueue_indirect_dma source(%arg6 : memref<64x1024xf32, #tpu.memory_space<vmem>>) target(%dma_start3A_13 : memref<8192x1024xf32, #tpu.memory_space<hbm>>) offsets(%arg5 : memref<64xi32, #tpu.memory_space<vmem>>) semaphore(%arg7 : memref<!tpu.dma_semaphore, #tpu.memory_space<semaphore_mem>>)
    %dma_wait3A_14 = arith.constant 0 : i32
    %dma_wait3A_15 = arith.constant 0 : i32
    %dma_wait3A_16 = tpu.memref_slice %arg4[%dma_wait3A_14, %dma_wait3A_15] : memref<8192x1024xf32, #tpu.memory_space<hbm>> -> memref<8192x1024xf32, #tpu.memory_space<hbm>>
    tpu.wait_indirect_dma semaphore(%arg7 : memref<!tpu.dma_semaphore, #tpu.memory_space<semaphore_mem>>) src(%arg6 : memref<64x1024xf32, #tpu.memory_space<vmem>>) dst(%dma_wait3A_16 : memref<8192x1024xf32, #tpu.memory_space<hbm>>)
    return
  }
}

#map = affine_map<(d0, d1) -> (0, 0)>
#map1 = affine_map<(d0, d1) -> (0)>
module attributes {stable_mosaic.version = 14 : i64} {
  func.func @k(%arg0: i32, %arg1: i32, %arg2: memref<8192x1024xf32, #tpu.memory_space<hbm>>, %arg3: memref<2048xi32, #tpu.memory_space<hbm>>, %arg4: memref<2048xi32, #tpu.memory_space<hbm>>, %arg5: memref<2048x16xf32, #tpu.memory_space<hbm>>, %arg6: memref<2048x16xf32, #tpu.memory_space<hbm>>, %arg7: memref<2048x1024xf32, #tpu.memory_space<hbm>>, %arg8: memref<32xi32, #tpu.memory_space<vmem>>, %arg9: memref<32xi32, #tpu.memory_space<vmem>>, %arg10: memref<32x1024xf32, #tpu.memory_space<vmem>>, %arg11: memref<32x1024xf32, #tpu.memory_space<vmem>>, %arg12: memref<32x16xf32, #tpu.memory_space<vmem>>, %arg13: memref<32x16xf32, #tpu.memory_space<vmem>>, %arg14: memref<!tpu.dma_semaphore, #tpu.memory_space<semaphore_mem>>) attributes {dimension_semantics = [#tpu.dimension_semantics<core_parallel>, #tpu.dimension_semantics<subcore_parallel>], iteration_bounds = array<i64: 2, 16>, scalar_prefetch = 0 : i64, scratch_operands = 7 : i64, tpu.core_type = #tpu.core_type<sc_vector_subcore>, window_params = [{transform_indices = #map}, {transform_indices = #map1}, {transform_indices = #map1}, {transform_indices = #map}, {transform_indices = #map}, {transform_indices = #map}]} {
    %mul3A = arith.constant 2 : i32
    %mul3A_0 = arith.muli %arg1, %mul3A : i32
    %add3A = arith.addi %mul3A_0, %arg0 : i32
    %mul3A_1 = arith.constant 64 : i32
    %mul3A_2 = arith.muli %add3A, %mul3A_1 : i32
    %add3A_3 = arith.constant 0 : i32
    %add3A_4 = arith.addi %mul3A_2, %add3A_3 : i32
    "tpu.region"() ({
      %run_scoped3A = tpu.sem_alloc : memref<!tpu.dma_semaphore, #tpu.memory_space<semaphore_mem>>
      %dma_start3A_38 = tpu.memref_slice %arg3[%add3A_4] : memref<2048xi32, #tpu.memory_space<hbm>> -> memref<32xi32, #tpu.memory_space<hbm>>
      %dma_start3A_39 = tpu.memref_slice %arg3[%add3A_4] : memref<2048xi32, #tpu.memory_space<hbm>> -> memref<32xi32, #tpu.memory_space<hbm>>
      tpu.enqueue_dma source(%dma_start3A_39 : memref<32xi32, #tpu.memory_space<hbm>>) target(%arg8 : memref<32xi32, #tpu.memory_space<vmem>>) target_semaphore(%run_scoped3A : memref<!tpu.dma_semaphore, #tpu.memory_space<semaphore_mem>>)
      %dma_wait3A_40 = tpu.memref_slice %arg3[%add3A_4] : memref<2048xi32, #tpu.memory_space<hbm>> -> memref<32xi32, #tpu.memory_space<hbm>>
      %dma_wait3A_41 = tpu.memref_slice %arg3[%add3A_4] : memref<2048xi32, #tpu.memory_space<hbm>> -> memref<32xi32, #tpu.memory_space<hbm>>
      tpu.wait_dma2 semaphore(%run_scoped3A : memref<!tpu.dma_semaphore, #tpu.memory_space<semaphore_mem>>) src(%dma_wait3A_41 : memref<32xi32, #tpu.memory_space<hbm>>) dst(%arg8 : memref<32xi32, #tpu.memory_space<vmem>>)
      tpu.yield
    }) : () -> ()
    "tpu.region"() ({
      %run_scoped3A = tpu.sem_alloc : memref<!tpu.dma_semaphore, #tpu.memory_space<semaphore_mem>>
      %dma_start3A_38 = tpu.memref_slice %arg4[%add3A_4] : memref<2048xi32, #tpu.memory_space<hbm>> -> memref<32xi32, #tpu.memory_space<hbm>>
      %dma_start3A_39 = tpu.memref_slice %arg4[%add3A_4] : memref<2048xi32, #tpu.memory_space<hbm>> -> memref<32xi32, #tpu.memory_space<hbm>>
      tpu.enqueue_dma source(%dma_start3A_39 : memref<32xi32, #tpu.memory_space<hbm>>) target(%arg9 : memref<32xi32, #tpu.memory_space<vmem>>) target_semaphore(%run_scoped3A : memref<!tpu.dma_semaphore, #tpu.memory_space<semaphore_mem>>)
      %dma_wait3A_40 = tpu.memref_slice %arg4[%add3A_4] : memref<2048xi32, #tpu.memory_space<hbm>> -> memref<32xi32, #tpu.memory_space<hbm>>
      %dma_wait3A_41 = tpu.memref_slice %arg4[%add3A_4] : memref<2048xi32, #tpu.memory_space<hbm>> -> memref<32xi32, #tpu.memory_space<hbm>>
      tpu.wait_dma2 semaphore(%run_scoped3A : memref<!tpu.dma_semaphore, #tpu.memory_space<semaphore_mem>>) src(%dma_wait3A_41 : memref<32xi32, #tpu.memory_space<hbm>>) dst(%arg9 : memref<32xi32, #tpu.memory_space<vmem>>)
      tpu.yield
    }) : () -> ()
    "tpu.region"() ({
      %run_scoped3A = tpu.sem_alloc : memref<!tpu.dma_semaphore, #tpu.memory_space<semaphore_mem>>
      %dma_start3A_38 = arith.constant 0 : i32
      %dma_start3A_39 = tpu.memref_slice %arg5[%add3A_4, %dma_start3A_38] : memref<2048x16xf32, #tpu.memory_space<hbm>> -> memref<32x16xf32, #tpu.memory_space<hbm>>
      %dma_start3A_40 = arith.constant 0 : i32
      %dma_start3A_41 = tpu.memref_slice %arg5[%add3A_4, %dma_start3A_40] : memref<2048x16xf32, #tpu.memory_space<hbm>> -> memref<32x16xf32, #tpu.memory_space<hbm>>
      tpu.enqueue_dma source(%dma_start3A_41 : memref<32x16xf32, #tpu.memory_space<hbm>>) target(%arg12 : memref<32x16xf32, #tpu.memory_space<vmem>>) target_semaphore(%run_scoped3A : memref<!tpu.dma_semaphore, #tpu.memory_space<semaphore_mem>>)
      %dma_wait3A_42 = arith.constant 0 : i32
      %dma_wait3A_43 = tpu.memref_slice %arg5[%add3A_4, %dma_wait3A_42] : memref<2048x16xf32, #tpu.memory_space<hbm>> -> memref<32x16xf32, #tpu.memory_space<hbm>>
      %dma_wait3A_44 = arith.constant 0 : i32
      %dma_wait3A_45 = tpu.memref_slice %arg5[%add3A_4, %dma_wait3A_44] : memref<2048x16xf32, #tpu.memory_space<hbm>> -> memref<32x16xf32, #tpu.memory_space<hbm>>
      tpu.wait_dma2 semaphore(%run_scoped3A : memref<!tpu.dma_semaphore, #tpu.memory_space<semaphore_mem>>) src(%dma_wait3A_45 : memref<32x16xf32, #tpu.memory_space<hbm>>) dst(%arg12 : memref<32x16xf32, #tpu.memory_space<vmem>>)
      tpu.yield
    }) : () -> ()
    "tpu.region"() ({
      %run_scoped3A = tpu.sem_alloc : memref<!tpu.dma_semaphore, #tpu.memory_space<semaphore_mem>>
      %dma_start3A_38 = arith.constant 0 : i32
      %dma_start3A_39 = tpu.memref_slice %arg6[%add3A_4, %dma_start3A_38] : memref<2048x16xf32, #tpu.memory_space<hbm>> -> memref<32x16xf32, #tpu.memory_space<hbm>>
      %dma_start3A_40 = arith.constant 0 : i32
      %dma_start3A_41 = tpu.memref_slice %arg6[%add3A_4, %dma_start3A_40] : memref<2048x16xf32, #tpu.memory_space<hbm>> -> memref<32x16xf32, #tpu.memory_space<hbm>>
      tpu.enqueue_dma source(%dma_start3A_41 : memref<32x16xf32, #tpu.memory_space<hbm>>) target(%arg13 : memref<32x16xf32, #tpu.memory_space<vmem>>) target_semaphore(%run_scoped3A : memref<!tpu.dma_semaphore, #tpu.memory_space<semaphore_mem>>)
      %dma_wait3A_42 = arith.constant 0 : i32
      %dma_wait3A_43 = tpu.memref_slice %arg6[%add3A_4, %dma_wait3A_42] : memref<2048x16xf32, #tpu.memory_space<hbm>> -> memref<32x16xf32, #tpu.memory_space<hbm>>
      %dma_wait3A_44 = arith.constant 0 : i32
      %dma_wait3A_45 = tpu.memref_slice %arg6[%add3A_4, %dma_wait3A_44] : memref<2048x16xf32, #tpu.memory_space<hbm>> -> memref<32x16xf32, #tpu.memory_space<hbm>>
      tpu.wait_dma2 semaphore(%run_scoped3A : memref<!tpu.dma_semaphore, #tpu.memory_space<semaphore_mem>>) src(%dma_wait3A_45 : memref<32x16xf32, #tpu.memory_space<hbm>>) dst(%arg13 : memref<32x16xf32, #tpu.memory_space<vmem>>)
      tpu.yield
    }) : () -> ()
    %dma_start3A = arith.constant 0 : i32
    %dma_start3A_5 = arith.constant 0 : i32
    %dma_start3A_6 = tpu.memref_slice %arg2[%dma_start3A, %dma_start3A_5] : memref<8192x1024xf32, #tpu.memory_space<hbm>> -> memref<8192x1024xf32, #tpu.memory_space<hbm>>
    tpu.enqueue_indirect_dma source(%dma_start3A_6 : memref<8192x1024xf32, #tpu.memory_space<hbm>>) target(%arg10 : memref<32x1024xf32, #tpu.memory_space<vmem>>) offsets(%arg8 : memref<32xi32, #tpu.memory_space<vmem>>) semaphore(%arg14 : memref<!tpu.dma_semaphore, #tpu.memory_space<semaphore_mem>>)
    %dma_start3A_7 = arith.constant 0 : i32
    %dma_start3A_8 = arith.constant 0 : i32
    %dma_start3A_9 = tpu.memref_slice %arg2[%dma_start3A_7, %dma_start3A_8] : memref<8192x1024xf32, #tpu.memory_space<hbm>> -> memref<8192x1024xf32, #tpu.memory_space<hbm>>
    tpu.enqueue_indirect_dma source(%dma_start3A_9 : memref<8192x1024xf32, #tpu.memory_space<hbm>>) target(%arg11 : memref<32x1024xf32, #tpu.memory_space<vmem>>) offsets(%arg9 : memref<32xi32, #tpu.memory_space<vmem>>) semaphore(%arg14 : memref<!tpu.dma_semaphore, #tpu.memory_space<semaphore_mem>>)
    %dma_wait3A = arith.constant 0 : i32
    %dma_wait3A_10 = arith.constant 0 : i32
    %dma_wait3A_11 = tpu.memref_slice %arg2[%dma_wait3A, %dma_wait3A_10] : memref<8192x1024xf32, #tpu.memory_space<hbm>> -> memref<8192x1024xf32, #tpu.memory_space<hbm>>
    tpu.wait_indirect_dma semaphore(%arg14 : memref<!tpu.dma_semaphore, #tpu.memory_space<semaphore_mem>>) src(%dma_wait3A_11 : memref<8192x1024xf32, #tpu.memory_space<hbm>>) dst(%arg10 : memref<32x1024xf32, #tpu.memory_space<vmem>>)
    %dma_wait3A_12 = arith.constant 0 : i32
    %dma_wait3A_13 = arith.constant 0 : i32
    %dma_wait3A_14 = tpu.memref_slice %arg2[%dma_wait3A_12, %dma_wait3A_13] : memref<8192x1024xf32, #tpu.memory_space<hbm>> -> memref<8192x1024xf32, #tpu.memory_space<hbm>>
    tpu.wait_indirect_dma semaphore(%arg14 : memref<!tpu.dma_semaphore, #tpu.memory_space<semaphore_mem>>) src(%dma_wait3A_14 : memref<8192x1024xf32, #tpu.memory_space<hbm>>) dst(%arg11 : memref<32x1024xf32, #tpu.memory_space<vmem>>)
    %scan3A = arith.constant 0 : i32
    %scan3A_15 = arith.constant 32 : i32
    %scan3A_16 = arith.addi %scan3A, %scan3A_15 : i32
    %scan3A_17 = arith.constant 1 : i32
    scf.for %scan3A_38 = %scan3A to %scan3A_16 step %scan3A_17  : i32 {
      %mul3A_39 = arith.constant 1 : i32
      %mul3A_40 = arith.muli %scan3A_38, %mul3A_39 : i32
      %add3A_41 = arith.constant 0 : i32
      %add3A_42 = arith.addi %add3A_41, %mul3A_40 : i32
      %get3A = arith.index_cast %add3A_42 : i32 to index
      %get3A_43 = arith.constant 0 : index
      %get3A_44 = tpu.vector_load %arg12[%get3A, %get3A_43] {strides = array<i32>} : memref<32x16xf32, #tpu.memory_space<vmem>>, vector<1x16xf32>,
      %get3A_45 = vector.shape_cast %get3A_44 : vector<1x16xf32> to vector<16xf32>
      %get3A_46 = arith.index_cast %add3A_42 : i32 to index
      %get3A_47 = arith.constant 0 : index
      %get3A_48 = tpu.vector_load %arg13[%get3A_46, %get3A_47] {strides = array<i32>} : memref<32x16xf32, #tpu.memory_space<vmem>>, vector<1x16xf32>,
      %get3A_49 = vector.shape_cast %get3A_48 : vector<1x16xf32> to vector<16xf32>
      %scan3A_50 = arith.constant 0 : i32
      %scan3A_51 = arith.constant 16 : i32
      %scan3A_52 = arith.addi %scan3A_50, %scan3A_51 : i32
      %scan3A_53 = arith.constant 1 : i32
      scf.for %scan3A_55 = %scan3A_50 to %scan3A_52 step %scan3A_53  : i32 {
        %mul3A_56 = arith.constant 64 : i32
        %mul3A_57 = arith.muli %scan3A_55, %mul3A_56 : i32
        %add3A_58 = arith.constant 0 : i32
        %add3A_59 = arith.addi %add3A_58, %mul3A_57 : i32
        %add3A_60 = arith.constant 0 : i32
        %add3A_61 = arith.addi %add3A_59, %add3A_60 : i32
        %get3A_62 = arith.index_cast %add3A_42 : i32 to index
        %get3A_63 = arith.index_cast %add3A_61 : i32 to index
        %get3A_64 = tpu.vector_load %arg10[%get3A_62, %get3A_63] {strides = array<i32>} : memref<32x1024xf32, #tpu.memory_space<vmem>>, vector<1x16xf32>,
        %get3A_65 = vector.shape_cast %get3A_64 : vector<1x16xf32> to vector<16xf32>
        %mul3A_66 = arith.mulf %get3A_65, %get3A_45 : vector<16xf32>
        %get3A_67 = arith.index_cast %add3A_42 : i32 to index
        %get3A_68 = arith.index_cast %add3A_61 : i32 to index
        %get3A_69 = tpu.vector_load %arg11[%get3A_67, %get3A_68] {strides = array<i32>} : memref<32x1024xf32, #tpu.memory_space<vmem>>, vector<1x16xf32>,
        %get3A_70 = vector.shape_cast %get3A_69 : vector<1x16xf32> to vector<16xf32>
        %mul3A_71 = arith.mulf %get3A_70, %get3A_49 : vector<16xf32>
        %add3A_72 = arith.addf %mul3A_66, %mul3A_71 : vector<16xf32>
        %swap3A = arith.index_cast %add3A_42 : i32 to index
        %swap3A_73 = arith.index_cast %add3A_61 : i32 to index
        %swap3A_74 = tpu.vector_load %arg10[%swap3A, %swap3A_73] {strides = array<i32>} : memref<32x1024xf32, #tpu.memory_space<vmem>>, vector<1x16xf32>,
        %swap3A_75 = vector.shape_cast %swap3A_74 : vector<1x16xf32> to vector<16xf32>
        %swap3A_76 = vector.shape_cast %add3A_72 : vector<16xf32> to vector<1x16xf32>
        tpu.vector_store %arg10[%swap3A, %swap3A_73], %swap3A_76 {strides = array<i32>} : memref<32x1024xf32, #tpu.memory_space<vmem>>, vector<1x16xf32>,
        %add3A_77 = arith.constant 16 : i32
        %add3A_78 = arith.addi %add3A_59, %add3A_77 : i32
        %get3A_79 = arith.index_cast %add3A_42 : i32 to index
        %get3A_80 = arith.index_cast %add3A_78 : i32 to index
        %get3A_81 = tpu.vector_load %arg10[%get3A_79, %get3A_80] {strides = array<i32>} : memref<32x1024xf32, #tpu.memory_space<vmem>>, vector<1x16xf32>,
        %get3A_82 = vector.shape_cast %get3A_81 : vector<1x16xf32> to vector<16xf32>
        %mul3A_83 = arith.mulf %get3A_82, %get3A_45 : vector<16xf32>
        %get3A_84 = arith.index_cast %add3A_42 : i32 to index
        %get3A_85 = arith.index_cast %add3A_78 : i32 to index
        %get3A_86 = tpu.vector_load %arg11[%get3A_84, %get3A_85] {strides = array<i32>} : memref<32x1024xf32, #tpu.memory_space<vmem>>, vector<1x16xf32>,
        %get3A_87 = vector.shape_cast %get3A_86 : vector<1x16xf32> to vector<16xf32>
        %mul3A_88 = arith.mulf %get3A_87, %get3A_49 : vector<16xf32>
        %add3A_89 = arith.addf %mul3A_83, %mul3A_88 : vector<16xf32>
        %swap3A_90 = arith.index_cast %add3A_42 : i32 to index
        %swap3A_91 = arith.index_cast %add3A_78 : i32 to index
        %swap3A_92 = tpu.vector_load %arg10[%swap3A_90, %swap3A_91] {strides = array<i32>} : memref<32x1024xf32, #tpu.memory_space<vmem>>, vector<1x16xf32>,
        %swap3A_93 = vector.shape_cast %swap3A_92 : vector<1x16xf32> to vector<16xf32>
        %swap3A_94 = vector.shape_cast %add3A_89 : vector<16xf32> to vector<1x16xf32>
        tpu.vector_store %arg10[%swap3A_90, %swap3A_91], %swap3A_94 {strides = array<i32>} : memref<32x1024xf32, #tpu.memory_space<vmem>>, vector<1x16xf32>,
        %add3A_95 = arith.constant 32 : i32
        %add3A_96 = arith.addi %add3A_59, %add3A_95 : i32
        %get3A_97 = arith.index_cast %add3A_42 : i32 to index
        %get3A_98 = arith.index_cast %add3A_96 : i32 to index
        %get3A_99 = tpu.vector_load %arg10[%get3A_97, %get3A_98] {strides = array<i32>} : memref<32x1024xf32, #tpu.memory_space<vmem>>, vector<1x16xf32>,
        %get3A_100 = vector.shape_cast %get3A_99 : vector<1x16xf32> to vector<16xf32>
        %mul3A_101 = arith.mulf %get3A_100, %get3A_45 : vector<16xf32>
        %get3A_102 = arith.index_cast %add3A_42 : i32 to index
        %get3A_103 = arith.index_cast %add3A_96 : i32 to index
        %get3A_104 = tpu.vector_load %arg11[%get3A_102, %get3A_103] {strides = array<i32>} : memref<32x1024xf32, #tpu.memory_space<vmem>>, vector<1x16xf32>,
        %get3A_105 = vector.shape_cast %get3A_104 : vector<1x16xf32> to vector<16xf32>
        %mul3A_106 = arith.mulf %get3A_105, %get3A_49 : vector<16xf32>
        %add3A_107 = arith.addf %mul3A_101, %mul3A_106 : vector<16xf32>
        %swap3A_108 = arith.index_cast %add3A_42 : i32 to index
        %swap3A_109 = arith.index_cast %add3A_96 : i32 to index
        %swap3A_110 = tpu.vector_load %arg10[%swap3A_108, %swap3A_109] {strides = array<i32>} : memref<32x1024xf32, #tpu.memory_space<vmem>>, vector<1x16xf32>,
        %swap3A_111 = vector.shape_cast %swap3A_110 : vector<1x16xf32> to vector<16xf32>
        %swap3A_112 = vector.shape_cast %add3A_107 : vector<16xf32> to vector<1x16xf32>
        tpu.vector_store %arg10[%swap3A_108, %swap3A_109], %swap3A_112 {strides = array<i32>} : memref<32x1024xf32, #tpu.memory_space<vmem>>, vector<1x16xf32>,
        %add3A_113 = arith.constant 48 : i32
        %add3A_114 = arith.addi %add3A_59, %add3A_113 : i32
        %get3A_115 = arith.index_cast %add3A_42 : i32 to index
        %get3A_116 = arith.index_cast %add3A_114 : i32 to index
        %get3A_117 = tpu.vector_load %arg10[%get3A_115, %get3A_116] {strides = array<i32>} : memref<32x1024xf32, #tpu.memory_space<vmem>>, vector<1x16xf32>,
        %get3A_118 = vector.shape_cast %get3A_117 : vector<1x16xf32> to vector<16xf32>
        %mul3A_119 = arith.mulf %get3A_118, %get3A_45 : vector<16xf32>
        %get3A_120 = arith.index_cast %add3A_42 : i32 to index
        %get3A_121 = arith.index_cast %add3A_114 : i32 to index
        %get3A_122 = tpu.vector_load %arg11[%get3A_120, %get3A_121] {strides = array<i32>} : memref<32x1024xf32, #tpu.memory_space<vmem>>, vector<1x16xf32>,
        %get3A_123 = vector.shape_cast %get3A_122 : vector<1x16xf32> to vector<16xf32>
        %mul3A_124 = arith.mulf %get3A_123, %get3A_49 : vector<16xf32>
        %add3A_125 = arith.addf %mul3A_119, %mul3A_124 : vector<16xf32>
        %swap3A_126 = arith.index_cast %add3A_42 : i32 to index
        %swap3A_127 = arith.index_cast %add3A_114 : i32 to index
        %swap3A_128 = tpu.vector_load %arg10[%swap3A_126, %swap3A_127] {strides = array<i32>} : memref<32x1024xf32, #tpu.memory_space<vmem>>, vector<1x16xf32>,
        %swap3A_129 = vector.shape_cast %swap3A_128 : vector<1x16xf32> to vector<16xf32>
        %swap3A_130 = vector.shape_cast %add3A_125 : vector<16xf32> to vector<1x16xf32>
        tpu.vector_store %arg10[%swap3A_126, %swap3A_127], %swap3A_130 {strides = array<i32>} : memref<32x1024xf32, #tpu.memory_space<vmem>>, vector<1x16xf32>,
      }
      %scan3A_54 = arith.constant 16 : i32
    }
    %scan3A_18 = arith.constant 32 : i32
    "tpu.region"() ({
      %run_scoped3A = tpu.sem_alloc : memref<!tpu.dma_semaphore, #tpu.memory_space<semaphore_mem>>
      %dma_start3A_38 = arith.constant 0 : i32
      %dma_start3A_39 = tpu.memref_slice %arg7[%add3A_4, %dma_start3A_38] : memref<2048x1024xf32, #tpu.memory_space<hbm>> -> memref<32x1024xf32, #tpu.memory_space<hbm>>
      %dma_start3A_40 = arith.constant 0 : i32
      %dma_start3A_41 = tpu.memref_slice %arg7[%add3A_4, %dma_start3A_40] : memref<2048x1024xf32, #tpu.memory_space<hbm>> -> memref<32x1024xf32, #tpu.memory_space<hbm>>
      tpu.enqueue_dma source(%arg10 : memref<32x1024xf32, #tpu.memory_space<vmem>>) target(%dma_start3A_41 : memref<32x1024xf32, #tpu.memory_space<hbm>>) target_semaphore(%run_scoped3A : memref<!tpu.dma_semaphore, #tpu.memory_space<semaphore_mem>>)
      %dma_wait3A_42 = arith.constant 0 : i32
      %dma_wait3A_43 = tpu.memref_slice %arg7[%add3A_4, %dma_wait3A_42] : memref<2048x1024xf32, #tpu.memory_space<hbm>> -> memref<32x1024xf32, #tpu.memory_space<hbm>>
      %dma_wait3A_44 = arith.constant 0 : i32
      %dma_wait3A_45 = tpu.memref_slice %arg7[%add3A_4, %dma_wait3A_44] : memref<2048x1024xf32, #tpu.memory_space<hbm>> -> memref<32x1024xf32, #tpu.memory_space<hbm>>
      tpu.wait_dma2 semaphore(%run_scoped3A : memref<!tpu.dma_semaphore, #tpu.memory_space<semaphore_mem>>) src(%arg10 : memref<32x1024xf32, #tpu.memory_space<vmem>>) dst(%dma_wait3A_45 : memref<32x1024xf32, #tpu.memory_space<hbm>>)
      tpu.yield
    }) : () -> ()
    %add3A_19 = arith.constant 32 : i32
    %add3A_20 = arith.addi %mul3A_2, %add3A_19 : i32
    "tpu.region"() ({
      %run_scoped3A = tpu.sem_alloc : memref<!tpu.dma_semaphore, #tpu.memory_space<semaphore_mem>>
      %dma_start3A_38 = tpu.memref_slice %arg3[%add3A_20] : memref<2048xi32, #tpu.memory_space<hbm>> -> memref<32xi32, #tpu.memory_space<hbm>>
      %dma_start3A_39 = tpu.memref_slice %arg3[%add3A_20] : memref<2048xi32, #tpu.memory_space<hbm>> -> memref<32xi32, #tpu.memory_space<hbm>>
      tpu.enqueue_dma source(%dma_start3A_39 : memref<32xi32, #tpu.memory_space<hbm>>) target(%arg8 : memref<32xi32, #tpu.memory_space<vmem>>) target_semaphore(%run_scoped3A : memref<!tpu.dma_semaphore, #tpu.memory_space<semaphore_mem>>)
      %dma_wait3A_40 = tpu.memref_slice %arg3[%add3A_20] : memref<2048xi32, #tpu.memory_space<hbm>> -> memref<32xi32, #tpu.memory_space<hbm>>
      %dma_wait3A_41 = tpu.memref_slice %arg3[%add3A_20] : memref<2048xi32, #tpu.memory_space<hbm>> -> memref<32xi32, #tpu.memory_space<hbm>>
      tpu.wait_dma2 semaphore(%run_scoped3A : memref<!tpu.dma_semaphore, #tpu.memory_space<semaphore_mem>>) src(%dma_wait3A_41 : memref<32xi32, #tpu.memory_space<hbm>>) dst(%arg8 : memref<32xi32, #tpu.memory_space<vmem>>)
      tpu.yield
    }) : () -> ()
    "tpu.region"() ({
      %run_scoped3A = tpu.sem_alloc : memref<!tpu.dma_semaphore, #tpu.memory_space<semaphore_mem>>
      %dma_start3A_38 = tpu.memref_slice %arg4[%add3A_20] : memref<2048xi32, #tpu.memory_space<hbm>> -> memref<32xi32, #tpu.memory_space<hbm>>
      %dma_start3A_39 = tpu.memref_slice %arg4[%add3A_20] : memref<2048xi32, #tpu.memory_space<hbm>> -> memref<32xi32, #tpu.memory_space<hbm>>
      tpu.enqueue_dma source(%dma_start3A_39 : memref<32xi32, #tpu.memory_space<hbm>>) target(%arg9 : memref<32xi32, #tpu.memory_space<vmem>>) target_semaphore(%run_scoped3A : memref<!tpu.dma_semaphore, #tpu.memory_space<semaphore_mem>>)
      %dma_wait3A_40 = tpu.memref_slice %arg4[%add3A_20] : memref<2048xi32, #tpu.memory_space<hbm>> -> memref<32xi32, #tpu.memory_space<hbm>>
      %dma_wait3A_41 = tpu.memref_slice %arg4[%add3A_20] : memref<2048xi32, #tpu.memory_space<hbm>> -> memref<32xi32, #tpu.memory_space<hbm>>
      tpu.wait_dma2 semaphore(%run_scoped3A : memref<!tpu.dma_semaphore, #tpu.memory_space<semaphore_mem>>) src(%dma_wait3A_41 : memref<32xi32, #tpu.memory_space<hbm>>) dst(%arg9 : memref<32xi32, #tpu.memory_space<vmem>>)
      tpu.yield
    }) : () -> ()
    "tpu.region"() ({
      %run_scoped3A = tpu.sem_alloc : memref<!tpu.dma_semaphore, #tpu.memory_space<semaphore_mem>>
      %dma_start3A_38 = arith.constant 0 : i32
      %dma_start3A_39 = tpu.memref_slice %arg5[%add3A_20, %dma_start3A_38] : memref<2048x16xf32, #tpu.memory_space<hbm>> -> memref<32x16xf32, #tpu.memory_space<hbm>>
      %dma_start3A_40 = arith.constant 0 : i32
      %dma_start3A_41 = tpu.memref_slice %arg5[%add3A_20, %dma_start3A_40] : memref<2048x16xf32, #tpu.memory_space<hbm>> -> memref<32x16xf32, #tpu.memory_space<hbm>>
      tpu.enqueue_dma source(%dma_start3A_41 : memref<32x16xf32, #tpu.memory_space<hbm>>) target(%arg12 : memref<32x16xf32, #tpu.memory_space<vmem>>) target_semaphore(%run_scoped3A : memref<!tpu.dma_semaphore, #tpu.memory_space<semaphore_mem>>)
      %dma_wait3A_42 = arith.constant 0 : i32
      %dma_wait3A_43 = tpu.memref_slice %arg5[%add3A_20, %dma_wait3A_42] : memref<2048x16xf32, #tpu.memory_space<hbm>> -> memref<32x16xf32, #tpu.memory_space<hbm>>
      %dma_wait3A_44 = arith.constant 0 : i32
      %dma_wait3A_45 = tpu.memref_slice %arg5[%add3A_20, %dma_wait3A_44] : memref<2048x16xf32, #tpu.memory_space<hbm>> -> memref<32x16xf32, #tpu.memory_space<hbm>>
      tpu.wait_dma2 semaphore(%run_scoped3A : memref<!tpu.dma_semaphore, #tpu.memory_space<semaphore_mem>>) src(%dma_wait3A_45 : memref<32x16xf32, #tpu.memory_space<hbm>>) dst(%arg12 : memref<32x16xf32, #tpu.memory_space<vmem>>)
      tpu.yield
    }) : () -> ()
    "tpu.region"() ({
      %run_scoped3A = tpu.sem_alloc : memref<!tpu.dma_semaphore, #tpu.memory_space<semaphore_mem>>
      %dma_start3A_38 = arith.constant 0 : i32
      %dma_start3A_39 = tpu.memref_slice %arg6[%add3A_20, %dma_start3A_38] : memref<2048x16xf32, #tpu.memory_space<hbm>> -> memref<32x16xf32, #tpu.memory_space<hbm>>
      %dma_start3A_40 = arith.constant 0 : i32
      %dma_start3A_41 = tpu.memref_slice %arg6[%add3A_20, %dma_start3A_40] : memref<2048x16xf32, #tpu.memory_space<hbm>> -> memref<32x16xf32, #tpu.memory_space<hbm>>
      tpu.enqueue_dma source(%dma_start3A_41 : memref<32x16xf32, #tpu.memory_space<hbm>>) target(%arg13 : memref<32x16xf32, #tpu.memory_space<vmem>>) target_semaphore(%run_scoped3A : memref<!tpu.dma_semaphore, #tpu.memory_space<semaphore_mem>>)
      %dma_wait3A_42 = arith.constant 0 : i32
      %dma_wait3A_43 = tpu.memref_slice %arg6[%add3A_20, %dma_wait3A_42] : memref<2048x16xf32, #tpu.memory_space<hbm>> -> memref<32x16xf32, #tpu.memory_space<hbm>>
      %dma_wait3A_44 = arith.constant 0 : i32
      %dma_wait3A_45 = tpu.memref_slice %arg6[%add3A_20, %dma_wait3A_44] : memref<2048x16xf32, #tpu.memory_space<hbm>> -> memref<32x16xf32, #tpu.memory_space<hbm>>
      tpu.wait_dma2 semaphore(%run_scoped3A : memref<!tpu.dma_semaphore, #tpu.memory_space<semaphore_mem>>) src(%dma_wait3A_45 : memref<32x16xf32, #tpu.memory_space<hbm>>) dst(%arg13 : memref<32x16xf32, #tpu.memory_space<vmem>>)
      tpu.yield
    }) : () -> ()
    %dma_start3A_21 = arith.constant 0 : i32
    %dma_start3A_22 = arith.constant 0 : i32
    %dma_start3A_23 = tpu.memref_slice %arg2[%dma_start3A_21, %dma_start3A_22] : memref<8192x1024xf32, #tpu.memory_space<hbm>> -> memref<8192x1024xf32, #tpu.memory_space<hbm>>
    tpu.enqueue_indirect_dma source(%dma_start3A_23 : memref<8192x1024xf32, #tpu.memory_space<hbm>>) target(%arg10 : memref<32x1024xf32, #tpu.memory_space<vmem>>) offsets(%arg8 : memref<32xi32, #tpu.memory_space<vmem>>) semaphore(%arg14 : memref<!tpu.dma_semaphore, #tpu.memory_space<semaphore_mem>>)
    %dma_start3A_24 = arith.constant 0 : i32
    %dma_start3A_25 = arith.constant 0 : i32
    %dma_start3A_26 = tpu.memref_slice %arg2[%dma_start3A_24, %dma_start3A_25] : memref<8192x1024xf32, #tpu.memory_space<hbm>> -> memref<8192x1024xf32, #tpu.memory_space<hbm>>
    tpu.enqueue_indirect_dma source(%dma_start3A_26 : memref<8192x1024xf32, #tpu.memory_space<hbm>>) target(%arg11 : memref<32x1024xf32, #tpu.memory_space<vmem>>) offsets(%arg9 : memref<32xi32, #tpu.memory_space<vmem>>) semaphore(%arg14 : memref<!tpu.dma_semaphore, #tpu.memory_space<semaphore_mem>>)
    %dma_wait3A_27 = arith.constant 0 : i32
    %dma_wait3A_28 = arith.constant 0 : i32
    %dma_wait3A_29 = tpu.memref_slice %arg2[%dma_wait3A_27, %dma_wait3A_28] : memref<8192x1024xf32, #tpu.memory_space<hbm>> -> memref<8192x1024xf32, #tpu.memory_space<hbm>>
    tpu.wait_indirect_dma semaphore(%arg14 : memref<!tpu.dma_semaphore, #tpu.memory_space<semaphore_mem>>) src(%dma_wait3A_29 : memref<8192x1024xf32, #tpu.memory_space<hbm>>) dst(%arg10 : memref<32x1024xf32, #tpu.memory_space<vmem>>)
    %dma_wait3A_30 = arith.constant 0 : i32
    %dma_wait3A_31 = arith.constant 0 : i32
    %dma_wait3A_32 = tpu.memref_slice %arg2[%dma_wait3A_30, %dma_wait3A_31] : memref<8192x1024xf32, #tpu.memory_space<hbm>> -> memref<8192x1024xf32, #tpu.memory_space<hbm>>
    tpu.wait_indirect_dma semaphore(%arg14 : memref<!tpu.dma_semaphore, #tpu.memory_space<semaphore_mem>>) src(%dma_wait3A_32 : memref<8192x1024xf32, #tpu.memory_space<hbm>>) dst(%arg11 : memref<32x1024xf32, #tpu.memory_space<vmem>>)
    %scan3A_33 = arith.constant 0 : i32
    %scan3A_34 = arith.constant 32 : i32
    %scan3A_35 = arith.addi %scan3A_33, %scan3A_34 : i32
    %scan3A_36 = arith.constant 1 : i32
    scf.for %scan3A_38 = %scan3A_33 to %scan3A_35 step %scan3A_36  : i32 {
      %mul3A_39 = arith.constant 1 : i32
      %mul3A_40 = arith.muli %scan3A_38, %mul3A_39 : i32
      %add3A_41 = arith.constant 0 : i32
      %add3A_42 = arith.addi %add3A_41, %mul3A_40 : i32
      %get3A = arith.index_cast %add3A_42 : i32 to index
      %get3A_43 = arith.constant 0 : index
      %get3A_44 = tpu.vector_load %arg12[%get3A, %get3A_43] {strides = array<i32>} : memref<32x16xf32, #tpu.memory_space<vmem>>, vector<1x16xf32>,
      %get3A_45 = vector.shape_cast %get3A_44 : vector<1x16xf32> to vector<16xf32>
      %get3A_46 = arith.index_cast %add3A_42 : i32 to index
      %get3A_47 = arith.constant 0 : index
      %get3A_48 = tpu.vector_load %arg13[%get3A_46, %get3A_47] {strides = array<i32>} : memref<32x16xf32, #tpu.memory_space<vmem>>, vector<1x16xf32>,
      %get3A_49 = vector.shape_cast %get3A_48 : vector<1x16xf32> to vector<16xf32>
      %scan3A_50 = arith.constant 0 : i32
      %scan3A_51 = arith.constant 16 : i32
      %scan3A_52 = arith.addi %scan3A_50, %scan3A_51 : i32
      %scan3A_53 = arith.constant 1 : i32
      scf.for %scan3A_55 = %scan3A_50 to %scan3A_52 step %scan3A_53  : i32 {
        %mul3A_56 = arith.constant 64 : i32
        %mul3A_57 = arith.muli %scan3A_55, %mul3A_56 : i32
        %add3A_58 = arith.constant 0 : i32
        %add3A_59 = arith.addi %add3A_58, %mul3A_57 : i32
        %add3A_60 = arith.constant 0 : i32
        %add3A_61 = arith.addi %add3A_59, %add3A_60 : i32
        %get3A_62 = arith.index_cast %add3A_42 : i32 to index
        %get3A_63 = arith.index_cast %add3A_61 : i32 to index
        %get3A_64 = tpu.vector_load %arg10[%get3A_62, %get3A_63] {strides = array<i32>} : memref<32x1024xf32, #tpu.memory_space<vmem>>, vector<1x16xf32>,
        %get3A_65 = vector.shape_cast %get3A_64 : vector<1x16xf32> to vector<16xf32>
        %mul3A_66 = arith.mulf %get3A_65, %get3A_45 : vector<16xf32>
        %get3A_67 = arith.index_cast %add3A_42 : i32 to index
        %get3A_68 = arith.index_cast %add3A_61 : i32 to index
        %get3A_69 = tpu.vector_load %arg11[%get3A_67, %get3A_68] {strides = array<i32>} : memref<32x1024xf32, #tpu.memory_space<vmem>>, vector<1x16xf32>,
        %get3A_70 = vector.shape_cast %get3A_69 : vector<1x16xf32> to vector<16xf32>
        %mul3A_71 = arith.mulf %get3A_70, %get3A_49 : vector<16xf32>
        %add3A_72 = arith.addf %mul3A_66, %mul3A_71 : vector<16xf32>
        %swap3A = arith.index_cast %add3A_42 : i32 to index
        %swap3A_73 = arith.index_cast %add3A_61 : i32 to index
        %swap3A_74 = tpu.vector_load %arg10[%swap3A, %swap3A_73] {strides = array<i32>} : memref<32x1024xf32, #tpu.memory_space<vmem>>, vector<1x16xf32>,
        %swap3A_75 = vector.shape_cast %swap3A_74 : vector<1x16xf32> to vector<16xf32>
        %swap3A_76 = vector.shape_cast %add3A_72 : vector<16xf32> to vector<1x16xf32>
        tpu.vector_store %arg10[%swap3A, %swap3A_73], %swap3A_76 {strides = array<i32>} : memref<32x1024xf32, #tpu.memory_space<vmem>>, vector<1x16xf32>,
        %add3A_77 = arith.constant 16 : i32
        %add3A_78 = arith.addi %add3A_59, %add3A_77 : i32
        %get3A_79 = arith.index_cast %add3A_42 : i32 to index
        %get3A_80 = arith.index_cast %add3A_78 : i32 to index
        %get3A_81 = tpu.vector_load %arg10[%get3A_79, %get3A_80] {strides = array<i32>} : memref<32x1024xf32, #tpu.memory_space<vmem>>, vector<1x16xf32>,
        %get3A_82 = vector.shape_cast %get3A_81 : vector<1x16xf32> to vector<16xf32>
        %mul3A_83 = arith.mulf %get3A_82, %get3A_45 : vector<16xf32>
        %get3A_84 = arith.index_cast %add3A_42 : i32 to index
        %get3A_85 = arith.index_cast %add3A_78 : i32 to index
        %get3A_86 = tpu.vector_load %arg11[%get3A_84, %get3A_85] {strides = array<i32>} : memref<32x1024xf32, #tpu.memory_space<vmem>>, vector<1x16xf32>,
        %get3A_87 = vector.shape_cast %get3A_86 : vector<1x16xf32> to vector<16xf32>
        %mul3A_88 = arith.mulf %get3A_87, %get3A_49 : vector<16xf32>
        %add3A_89 = arith.addf %mul3A_83, %mul3A_88 : vector<16xf32>
        %swap3A_90 = arith.index_cast %add3A_42 : i32 to index
        %swap3A_91 = arith.index_cast %add3A_78 : i32 to index
        %swap3A_92 = tpu.vector_load %arg10[%swap3A_90, %swap3A_91] {strides = array<i32>} : memref<32x1024xf32, #tpu.memory_space<vmem>>, vector<1x16xf32>,
        %swap3A_93 = vector.shape_cast %swap3A_92 : vector<1x16xf32> to vector<16xf32>
        %swap3A_94 = vector.shape_cast %add3A_89 : vector<16xf32> to vector<1x16xf32>
        tpu.vector_store %arg10[%swap3A_90, %swap3A_91], %swap3A_94 {strides = array<i32>} : memref<32x1024xf32, #tpu.memory_space<vmem>>, vector<1x16xf32>,
        %add3A_95 = arith.constant 32 : i32
        %add3A_96 = arith.addi %add3A_59, %add3A_95 : i32
        %get3A_97 = arith.index_cast %add3A_42 : i32 to index
        %get3A_98 = arith.index_cast %add3A_96 : i32 to index
        %get3A_99 = tpu.vector_load %arg10[%get3A_97, %get3A_98] {strides = array<i32>} : memref<32x1024xf32, #tpu.memory_space<vmem>>, vector<1x16xf32>,
        %get3A_100 = vector.shape_cast %get3A_99 : vector<1x16xf32> to vector<16xf32>
        %mul3A_101 = arith.mulf %get3A_100, %get3A_45 : vector<16xf32>
        %get3A_102 = arith.index_cast %add3A_42 : i32 to index
        %get3A_103 = arith.index_cast %add3A_96 : i32 to index
        %get3A_104 = tpu.vector_load %arg11[%get3A_102, %get3A_103] {strides = array<i32>} : memref<32x1024xf32, #tpu.memory_space<vmem>>, vector<1x16xf32>,
        %get3A_105 = vector.shape_cast %get3A_104 : vector<1x16xf32> to vector<16xf32>
        %mul3A_106 = arith.mulf %get3A_105, %get3A_49 : vector<16xf32>
        %add3A_107 = arith.addf %mul3A_101, %mul3A_106 : vector<16xf32>
        %swap3A_108 = arith.index_cast %add3A_42 : i32 to index
        %swap3A_109 = arith.index_cast %add3A_96 : i32 to index
        %swap3A_110 = tpu.vector_load %arg10[%swap3A_108, %swap3A_109] {strides = array<i32>} : memref<32x1024xf32, #tpu.memory_space<vmem>>, vector<1x16xf32>,
        %swap3A_111 = vector.shape_cast %swap3A_110 : vector<1x16xf32> to vector<16xf32>
        %swap3A_112 = vector.shape_cast %add3A_107 : vector<16xf32> to vector<1x16xf32>
        tpu.vector_store %arg10[%swap3A_108, %swap3A_109], %swap3A_112 {strides = array<i32>} : memref<32x1024xf32, #tpu.memory_space<vmem>>, vector<1x16xf32>,
        %add3A_113 = arith.constant 48 : i32
        %add3A_114 = arith.addi %add3A_59, %add3A_113 : i32
        %get3A_115 = arith.index_cast %add3A_42 : i32 to index
        %get3A_116 = arith.index_cast %add3A_114 : i32 to index
        %get3A_117 = tpu.vector_load %arg10[%get3A_115, %get3A_116] {strides = array<i32>} : memref<32x1024xf32, #tpu.memory_space<vmem>>, vector<1x16xf32>,
        %get3A_118 = vector.shape_cast %get3A_117 : vector<1x16xf32> to vector<16xf32>
        %mul3A_119 = arith.mulf %get3A_118, %get3A_45 : vector<16xf32>
        %get3A_120 = arith.index_cast %add3A_42 : i32 to index
        %get3A_121 = arith.index_cast %add3A_114 : i32 to index
        %get3A_122 = tpu.vector_load %arg11[%get3A_120, %get3A_121] {strides = array<i32>} : memref<32x1024xf32, #tpu.memory_space<vmem>>, vector<1x16xf32>,
        %get3A_123 = vector.shape_cast %get3A_122 : vector<1x16xf32> to vector<16xf32>
        %mul3A_124 = arith.mulf %get3A_123, %get3A_49 : vector<16xf32>
        %add3A_125 = arith.addf %mul3A_119, %mul3A_124 : vector<16xf32>
        %swap3A_126 = arith.index_cast %add3A_42 : i32 to index
        %swap3A_127 = arith.index_cast %add3A_114 : i32 to index
        %swap3A_128 = tpu.vector_load %arg10[%swap3A_126, %swap3A_127] {strides = array<i32>} : memref<32x1024xf32, #tpu.memory_space<vmem>>, vector<1x16xf32>,
        %swap3A_129 = vector.shape_cast %swap3A_128 : vector<1x16xf32> to vector<16xf32>
        %swap3A_130 = vector.shape_cast %add3A_125 : vector<16xf32> to vector<1x16xf32>
        tpu.vector_store %arg10[%swap3A_126, %swap3A_127], %swap3A_130 {strides = array<i32>} : memref<32x1024xf32, #tpu.memory_space<vmem>>, vector<1x16xf32>,
      }
      %scan3A_54 = arith.constant 16 : i32
    }
    %scan3A_37 = arith.constant 32 : i32
    "tpu.region"() ({
      %run_scoped3A = tpu.sem_alloc : memref<!tpu.dma_semaphore, #tpu.memory_space<semaphore_mem>>
      %dma_start3A_38 = arith.constant 0 : i32
      %dma_start3A_39 = tpu.memref_slice %arg7[%add3A_20, %dma_start3A_38] : memref<2048x1024xf32, #tpu.memory_space<hbm>> -> memref<32x1024xf32, #tpu.memory_space<hbm>>
      %dma_start3A_40 = arith.constant 0 : i32
      %dma_start3A_41 = tpu.memref_slice %arg7[%add3A_20, %dma_start3A_40] : memref<2048x1024xf32, #tpu.memory_space<hbm>> -> memref<32x1024xf32, #tpu.memory_space<hbm>>
      tpu.enqueue_dma source(%arg10 : memref<32x1024xf32, #tpu.memory_space<vmem>>) target(%dma_start3A_41 : memref<32x1024xf32, #tpu.memory_space<hbm>>) target_semaphore(%run_scoped3A : memref<!tpu.dma_semaphore, #tpu.memory_space<semaphore_mem>>)
      %dma_wait3A_42 = arith.constant 0 : i32
      %dma_wait3A_43 = tpu.memref_slice %arg7[%add3A_20, %dma_wait3A_42] : memref<2048x1024xf32, #tpu.memory_space<hbm>> -> memref<32x1024xf32, #tpu.memory_space<hbm>>
      %dma_wait3A_44 = arith.constant 0 : i32
      %dma_wait3A_45 = tpu.memref_slice %arg7[%add3A_20, %dma_wait3A_44] : memref<2048x1024xf32, #tpu.memory_space<hbm>> -> memref<32x1024xf32, #tpu.memory_space<hbm>>
      tpu.wait_dma2 semaphore(%run_scoped3A : memref<!tpu.dma_semaphore, #tpu.memory_space<semaphore_mem>>) src(%arg10 : memref<32x1024xf32, #tpu.memory_space<vmem>>) dst(%dma_wait3A_45 : memref<32x1024xf32, #tpu.memory_space<hbm>>)
      tpu.yield
    }) : () -> ()
    return
  }
}

module attributes {stable_mosaic.version = 14 : i64} {
  func.func @_router_kernel(%arg0: i32, %arg1: memref<256x1024xf32, #tpu.memory_space<vmem>>, %arg2: memref<8x1024xf32, #tpu.memory_space<vmem>>, %arg3: memref<1x8xf32, #tpu.memory_space<vmem>>, %arg4: memref<256x8xf32, #tpu.memory_space<vmem>>, %arg5: memref<256x16xf32, #tpu.memory_space<vmem>>, %arg6: memref<256x16xf32, #tpu.memory_space<vmem>>, %arg7: memref<8x8xf32, #tpu.memory_space<vmem>>, %arg8: memref<8x8xf32, #tpu.memory_space<vmem>>) attributes {dimension_semantics = [#tpu.dimension_semantics<arbitrary>], iteration_bounds = array<i64: 8>, scalar_prefetch = 0 : i64, scratch_operands = 1 : i64, tpu.core_type = #tpu.core_type<tc>, window_params = [{transform_indices = @transform_0, window_bounds = array<i64: 256, 1024>}, {pipeline_mode = #tpu.pipeline_mode<synchronous>, transform_indices = @transform_1, window_bounds = array<i64: 8, 1024>}, {pipeline_mode = #tpu.pipeline_mode<synchronous>, transform_indices = @transform_2, window_bounds = array<i64: 1, 8>}, {transform_indices = @transform_3, window_bounds = array<i64: 256, 8>}, {transform_indices = @transform_4, window_bounds = array<i64: 256, 16>}, {transform_indices = @transform_5, window_bounds = array<i64: 256, 16>}, {pipeline_mode = #tpu.pipeline_mode<synchronous>, transform_indices = @transform_6, window_bounds = array<i64: 8, 8>}]} {
    %eq3A = arith.constant 0 : i32
    %eq3A_0 = arith.cmpi eq, %arg0, %eq3A : i32
    %convert_element_type3A = arith.extui %eq3A_0 : i1 to i32
    %cond3A = arith.constant 0 : i32
    %cond3A_1 = arith.cmpi ne, %convert_element_type3A, %cond3A : i32
    scf.if %cond3A_1 {
      %broadcast_in_dim3A_158 = arith.constant 0.000000e+00 : f32
      %broadcast_in_dim3A_159 = vector.broadcast %broadcast_in_dim3A_158 : f32 to vector<8x8xf32>
      %swap3A_160 = arith.constant 0 : index
      %swap3A_161 = arith.constant 0 : index
      %swap3A_162 = vector.load %arg8[%swap3A_160, %swap3A_161] : memref<8x8xf32, #tpu.memory_space<vmem>>, vector<8x8xf32>
      tpu.vector_store %arg8[%swap3A_160, %swap3A_161], %broadcast_in_dim3A_159 {strides = array<i32>} : memref<8x8xf32, #tpu.memory_space<vmem>>, vector<8x8xf32>,
    } else {
    }
    %get3A = arith.constant 0 : index
    %get3A_2 = arith.constant 0 : index
    %get3A_3 = vector.load %arg1[%get3A, %get3A_2] : memref<256x1024xf32, #tpu.memory_space<vmem>>, vector<256x1024xf32>
    %get3A_4 = arith.constant 0 : index
    %get3A_5 = arith.constant 0 : index
    %get3A_6 = vector.load %arg2[%get3A_4, %get3A_5] : memref<8x1024xf32, #tpu.memory_space<vmem>>, vector<8x1024xf32>
    %dot_general3A = arith.constant dense<0.000000e+00> : vector<256x8xf32>
    %dot_general3A_7 = tpu.matmul %get3A_3, %get3A_6, %dot_general3A {dimension_numbers = #tpu.dot_dimension_numbers<[1], [1], [0], [0], [0, 0, 1, 0], [], []>, transpose_lhs_hint = false} : vector<256x1024xf32>, vector<8x1024xf32>, vector<256x8xf32> -> vector<256x8xf32>
    %reduce_max3A = arith.constant dense<0xFF800000> : vector<256xf32>
    %reduce_max3A_8 = vector.multi_reduction <maximumf>, %dot_general3A_7, %reduce_max3A [1] : vector<256x8xf32> to vector<256xf32>
    %broadcast_in_dim3A = vector.shape_cast %reduce_max3A_8 : vector<256xf32> to vector<256x1xf32>
    %sub3A = vector.broadcast %broadcast_in_dim3A : vector<256x1xf32> to vector<256x8xf32>
    %sub3A_9 = arith.subf %dot_general3A_7, %sub3A : vector<256x8xf32>
    %exp3A = math.exp %sub3A_9 : vector<256x8xf32>
    %get3A_10 = arith.constant 0 : index
    %get3A_11 = arith.constant 0 : index
    %get3A_12 = vector.load %arg3[%get3A_10, %get3A_11] : memref<1x8xf32, #tpu.memory_space<vmem>>, vector<1x8xf32>
    %add3A = vector.broadcast %get3A_12 : vector<1x8xf32> to vector<256x8xf32>
    %add3A_13 = arith.addf %dot_general3A_7, %add3A : vector<256x8xf32>
    %iota3A = tpu.iota {dimensions = array<i32: 1>} : vector<256x8xi32>
    %reduce_max3A_14 = arith.constant dense<0xFF800000> : vector<256xf32>
    %reduce_max3A_15 = vector.multi_reduction <maximumf>, %add3A_13, %reduce_max3A_14 [1] : vector<256x8xf32> to vector<256xf32>
    %broadcast_in_dim3A_16 = vector.shape_cast %reduce_max3A_15 : vector<256xf32> to vector<256x1xf32>
    %eq3A_17 = vector.broadcast %broadcast_in_dim3A_16 : vector<256x1xf32> to vector<256x8xf32>
    %eq3A_18 = arith.cmpf oeq, %add3A_13, %eq3A_17 : vector<256x8xf32>
    %jit3A = arith.constant 8 : i32
    %broadcast_in_dim3A_19 = vector.broadcast %jit3A : i32 to vector<256x8xi32>
    %select_n3A = arith.select %eq3A_18, %iota3A, %broadcast_in_dim3A_19 : vector<256x8xi1>, vector<256x8xi32>
    %reduce_min3A = arith.constant dense<2147483647> : vector<256xi32>
    %reduce_min3A_20 = vector.multi_reduction <minsi>, %select_n3A, %reduce_min3A [1] : vector<256x8xi32> to vector<256xi32>
    %broadcast_in_dim3A_21 = vector.shape_cast %reduce_min3A_20 : vector<256xi32> to vector<256x1xi32>
    %eq3A_22 = vector.broadcast %broadcast_in_dim3A_21 : vector<256x1xi32> to vector<256x8xi32>
    %eq3A_23 = arith.cmpi eq, %iota3A, %eq3A_22 : vector<256x8xi32>
    %convert_element_type3A_24 = arith.extui %eq3A_23 : vector<256x8xi1> to vector<256x8xi32>
    %convert_element_type3A_25 = arith.sitofp %convert_element_type3A_24 : vector<256x8xi32> to vector<256x8xf32>
    %gt3A = arith.constant 0.000000e+00 : f32
    %gt3A_26 = vector.broadcast %gt3A : f32 to vector<256x8xf32>
    %gt3A_27 = arith.cmpf ogt, %convert_element_type3A_25, %gt3A_26 : vector<256x8xf32>
    %jit3A_28 = arith.constant -1.000000e+30 : f32
    %broadcast_in_dim3A_29 = vector.broadcast %jit3A_28 : f32 to vector<256x8xf32>
    %select_n3A_30 = arith.select %gt3A_27, %broadcast_in_dim3A_29, %add3A_13 : vector<256x8xi1>, vector<256x8xf32>
    %reduce_max3A_31 = arith.constant dense<0xFF800000> : vector<256xf32>
    %reduce_max3A_32 = vector.multi_reduction <maximumf>, %select_n3A_30, %reduce_max3A_31 [1] : vector<256x8xf32> to vector<256xf32>
    %broadcast_in_dim3A_33 = vector.shape_cast %reduce_max3A_32 : vector<256xf32> to vector<256x1xf32>
    %eq3A_34 = vector.broadcast %broadcast_in_dim3A_33 : vector<256x1xf32> to vector<256x8xf32>
    %eq3A_35 = arith.cmpf oeq, %select_n3A_30, %eq3A_34 : vector<256x8xf32>
    %jit3A_36 = arith.constant 8 : i32
    %broadcast_in_dim3A_37 = vector.broadcast %jit3A_36 : i32 to vector<256x8xi32>
    %select_n3A_38 = arith.select %eq3A_35, %iota3A, %broadcast_in_dim3A_37 : vector<256x8xi1>, vector<256x8xi32>
    %reduce_min3A_39 = arith.constant dense<2147483647> : vector<256xi32>
    %reduce_min3A_40 = vector.multi_reduction <minsi>, %select_n3A_38, %reduce_min3A_39 [1] : vector<256x8xi32> to vector<256xi32>
    %broadcast_in_dim3A_41 = vector.shape_cast %reduce_min3A_40 : vector<256xi32> to vector<256x1xi32>
    %eq3A_42 = vector.broadcast %broadcast_in_dim3A_41 : vector<256x1xi32> to vector<256x8xi32>
    %eq3A_43 = arith.cmpi eq, %iota3A, %eq3A_42 : vector<256x8xi32>
    %convert_element_type3A_44 = arith.extui %eq3A_43 : vector<256x8xi1> to vector<256x8xi32>
    %convert_element_type3A_45 = arith.sitofp %convert_element_type3A_44 : vector<256x8xi32> to vector<256x8xf32>
    %mul3A = arith.mulf %exp3A, %convert_element_type3A_25 : vector<256x8xf32>
    %reduce_sum3A = arith.constant dense<0.000000e+00> : vector<256xf32>
    %reduce_sum3A_46 = vector.multi_reduction <add>, %mul3A, %reduce_sum3A [1] : vector<256x8xf32> to vector<256xf32>
    %broadcast_in_dim3A_47 = vector.shape_cast %reduce_sum3A_46 : vector<256xf32> to vector<256x1xf32>
    %mul3A_48 = arith.mulf %exp3A, %convert_element_type3A_45 : vector<256x8xf32>
    %reduce_sum3A_49 = arith.constant dense<0.000000e+00> : vector<256xf32>
    %reduce_sum3A_50 = vector.multi_reduction <add>, %mul3A_48, %reduce_sum3A_49 [1] : vector<256x8xf32> to vector<256xf32>
    %broadcast_in_dim3A_51 = vector.shape_cast %reduce_sum3A_50 : vector<256xf32> to vector<256x1xf32>
    %add3A_52 = arith.addf %broadcast_in_dim3A_47, %broadcast_in_dim3A_51 : vector<256x1xf32>
    %div3A = arith.divf %broadcast_in_dim3A_47, %add3A_52 : vector<256x1xf32>
    %div3A_53 = arith.divf %broadcast_in_dim3A_51, %add3A_52 : vector<256x1xf32>
    %add3A_54 = arith.addf %convert_element_type3A_25, %convert_element_type3A_45 : vector<256x8xf32>
    %iota3A_55 = tpu.iota {dimensions = array<i32: 0>} : vector<256x256xi32>
    %iota3A_56 = tpu.iota {dimensions = array<i32: 1>} : vector<256x256xi32>
    %ge3A = arith.cmpi sge, %iota3A_55, %iota3A_56 : vector<256x256xi32>
    %convert_element_type3A_57 = arith.extui %ge3A : vector<256x256xi1> to vector<256x256xi32>
    %convert_element_type3A_58 = arith.sitofp %convert_element_type3A_57 : vector<256x256xi32> to vector<256x256xf32>
    %dot_general3A_59 = arith.constant dense<0.000000e+00> : vector<256x8xf32>
    %dot_general3A_60 = tpu.matmul %convert_element_type3A_58, %add3A_54, %dot_general3A_59 {dimension_numbers = #tpu.dot_dimension_numbers<[1], [0], [0], [1], [0, 0, 1, 1], [], []>, transpose_lhs_hint = false} : vector<256x256xf32>, vector<256x8xf32>, vector<256x8xf32> -> vector<256x8xf32>
    %get3A_61 = arith.constant 0 : index
    %get3A_62 = arith.constant 0 : index
    %get3A_63 = vector.load %arg8[%get3A_61, %get3A_62] : memref<8x8xf32, #tpu.memory_space<vmem>>, vector<8x8xf32>
    %slice3A = vector.extract_strided_slice %get3A_63 {offsets = [0, 0], sizes = [1, 8], strides = [1, 1]} : vector<8x8xf32> to vector<1x8xf32>
    %add3A_64 = vector.broadcast %slice3A : vector<1x8xf32> to vector<256x8xf32>
    %add3A_65 = arith.addf %dot_general3A_60, %add3A_64 : vector<256x8xf32>
    %sub3A_66 = arith.constant 1.000000e+00 : f32
    %sub3A_67 = vector.broadcast %sub3A_66 : f32 to vector<256x8xf32>
    %sub3A_68 = arith.subf %add3A_65, %sub3A_67 : vector<256x8xf32>
    %slice3A_69 = vector.extract_strided_slice %dot_general3A_60 {offsets = [255, 0], sizes = [1, 8], strides = [1, 1]} : vector<256x8xf32> to vector<1x8xf32>
    %add3A_70 = arith.addf %slice3A, %slice3A_69 : vector<1x8xf32>
    %broadcast_in_dim3A_71 = vector.shape_cast %add3A_70 : vector<1x8xf32> to vector<1x8xf32>
    %broadcast_in_dim3A_72 = vector.broadcast %broadcast_in_dim3A_71 : vector<1x8xf32> to vector<8x8xf32>
    %swap3A = arith.constant 0 : index
    %swap3A_73 = arith.constant 0 : index
    %swap3A_74 = vector.load %arg8[%swap3A, %swap3A_73] : memref<8x8xf32, #tpu.memory_space<vmem>>, vector<8x8xf32>
    tpu.vector_store %arg8[%swap3A, %swap3A_73], %broadcast_in_dim3A_72 {strides = array<i32>} : memref<8x8xf32, #tpu.memory_space<vmem>>, vector<8x8xf32>,
    %broadcast_in_dim3A_75 = vector.shape_cast %add3A_70 : vector<1x8xf32> to vector<1x8xf32>
    %broadcast_in_dim3A_76 = vector.broadcast %broadcast_in_dim3A_75 : vector<1x8xf32> to vector<8x8xf32>
    %swap3A_77 = arith.constant 0 : index
    %swap3A_78 = arith.constant 0 : index
    %swap3A_79 = vector.load %arg7[%swap3A_77, %swap3A_78] : memref<8x8xf32, #tpu.memory_space<vmem>>, vector<8x8xf32>
    tpu.vector_store %arg7[%swap3A_77, %swap3A_78], %broadcast_in_dim3A_76 {strides = array<i32>} : memref<8x8xf32, #tpu.memory_space<vmem>>, vector<8x8xf32>,
    %convert_element_type3A_80 = arith.sitofp %broadcast_in_dim3A_21 : vector<256x1xi32> to vector<256x1xf32>
    %convert_element_type3A_81 = arith.sitofp %broadcast_in_dim3A_41 : vector<256x1xi32> to vector<256x1xf32>
    %min3A = arith.minimumf %convert_element_type3A_80, %convert_element_type3A_81 : vector<256x1xf32>
    %max3A = arith.maximumf %convert_element_type3A_80, %convert_element_type3A_81 : vector<256x1xf32>
    %lt3A = arith.cmpi slt, %broadcast_in_dim3A_21, %broadcast_in_dim3A_41 : vector<256x1xi32>
    %convert_element_type3A_82 = arith.extui %lt3A : vector<256x1xi1> to vector<256x1xi32>
    %convert_element_type3A_83 = arith.sitofp %convert_element_type3A_82 : vector<256x1xi32> to vector<256x1xf32>
    %mul3A_84 = arith.mulf %convert_element_type3A_83, %div3A : vector<256x1xf32>
    %sub3A_85 = arith.constant 1.000000e+00 : f32
    %sub3A_86 = vector.broadcast %sub3A_85 : f32 to vector<256x1xf32>
    %sub3A_87 = arith.subf %sub3A_86, %convert_element_type3A_83 : vector<256x1xf32>
    %mul3A_88 = arith.mulf %sub3A_87, %div3A_53 : vector<256x1xf32>
    %add3A_89 = arith.addf %mul3A_84, %mul3A_88 : vector<256x1xf32>
    %mul3A_90 = arith.mulf %convert_element_type3A_83, %div3A_53 : vector<256x1xf32>
    %sub3A_91 = arith.constant 1.000000e+00 : f32
    %sub3A_92 = vector.broadcast %sub3A_91 : f32 to vector<256x1xf32>
    %sub3A_93 = arith.subf %sub3A_92, %convert_element_type3A_83 : vector<256x1xf32>
    %mul3A_94 = arith.mulf %sub3A_93, %div3A : vector<256x1xf32>
    %add3A_95 = arith.addf %mul3A_90, %mul3A_94 : vector<256x1xf32>
    %convert_element_type3A_96 = arith.sitofp %iota3A : vector<256x8xi32> to vector<256x8xf32>
    %eq3A_97 = vector.broadcast %min3A : vector<256x1xf32> to vector<256x8xf32>
    %eq3A_98 = arith.cmpf oeq, %convert_element_type3A_96, %eq3A_97 : vector<256x8xf32>
    %convert_element_type3A_99 = arith.extui %eq3A_98 : vector<256x8xi1> to vector<256x8xi32>
    %convert_element_type3A_100 = arith.sitofp %convert_element_type3A_99 : vector<256x8xi32> to vector<256x8xf32>
    %convert_element_type3A_101 = arith.sitofp %iota3A : vector<256x8xi32> to vector<256x8xf32>
    %eq3A_102 = vector.broadcast %max3A : vector<256x1xf32> to vector<256x8xf32>
    %eq3A_103 = arith.cmpf oeq, %convert_element_type3A_101, %eq3A_102 : vector<256x8xf32>
    %convert_element_type3A_104 = arith.extui %eq3A_103 : vector<256x8xi1> to vector<256x8xi32>
    %convert_element_type3A_105 = arith.sitofp %convert_element_type3A_104 : vector<256x8xi32> to vector<256x8xf32>
    %mul3A_106 = arith.mulf %sub3A_68, %convert_element_type3A_100 : vector<256x8xf32>
    %reduce_sum3A_107 = arith.constant dense<0.000000e+00> : vector<256xf32>
    %reduce_sum3A_108 = vector.multi_reduction <add>, %mul3A_106, %reduce_sum3A_107 [1] : vector<256x8xf32> to vector<256xf32>
    %broadcast_in_dim3A_109 = vector.shape_cast %reduce_sum3A_108 : vector<256xf32> to vector<256x1xf32>
    %mul3A_110 = arith.mulf %sub3A_68, %convert_element_type3A_105 : vector<256x8xf32>
    %reduce_sum3A_111 = arith.constant dense<0.000000e+00> : vector<256xf32>
    %reduce_sum3A_112 = vector.multi_reduction <add>, %mul3A_110, %reduce_sum3A_111 [1] : vector<256x8xf32> to vector<256xf32>
    %broadcast_in_dim3A_113 = vector.shape_cast %reduce_sum3A_112 : vector<256xf32> to vector<256x1xf32>
    %eq3A_114 = arith.constant 0 : i32
    %eq3A_115 = vector.broadcast %eq3A_114 : i32 to vector<256x8xi32>
    %eq3A_116 = arith.cmpi eq, %iota3A, %eq3A_115 : vector<256x8xi32>
    %convert_element_type3A_117 = arith.extui %eq3A_116 : vector<256x8xi1> to vector<256x8xi32>
    %convert_element_type3A_118 = arith.sitofp %convert_element_type3A_117 : vector<256x8xi32> to vector<256x8xf32>
    %eq3A_119 = arith.constant 1 : i32
    %eq3A_120 = vector.broadcast %eq3A_119 : i32 to vector<256x8xi32>
    %eq3A_121 = arith.cmpi eq, %iota3A, %eq3A_120 : vector<256x8xi32>
    %convert_element_type3A_122 = arith.extui %eq3A_121 : vector<256x8xi1> to vector<256x8xi32>
    %convert_element_type3A_123 = arith.sitofp %convert_element_type3A_122 : vector<256x8xi32> to vector<256x8xf32>
    %eq3A_124 = arith.constant 2 : i32
    %eq3A_125 = vector.broadcast %eq3A_124 : i32 to vector<256x8xi32>
    %eq3A_126 = arith.cmpi eq, %iota3A, %eq3A_125 : vector<256x8xi32>
    %convert_element_type3A_127 = arith.extui %eq3A_126 : vector<256x8xi1> to vector<256x8xi32>
    %convert_element_type3A_128 = arith.sitofp %convert_element_type3A_127 : vector<256x8xi32> to vector<256x8xf32>
    %eq3A_129 = arith.constant 3 : i32
    %eq3A_130 = vector.broadcast %eq3A_129 : i32 to vector<256x8xi32>
    %eq3A_131 = arith.cmpi eq, %iota3A, %eq3A_130 : vector<256x8xi32>
    %convert_element_type3A_132 = arith.extui %eq3A_131 : vector<256x8xi1> to vector<256x8xi32>
    %convert_element_type3A_133 = arith.sitofp %convert_element_type3A_132 : vector<256x8xi32> to vector<256x8xf32>
    %mul3A_134 = vector.broadcast %broadcast_in_dim3A_109 : vector<256x1xf32> to vector<256x8xf32>
    %mul3A_135 = arith.mulf %convert_element_type3A_118, %mul3A_134 : vector<256x8xf32>
    %mul3A_136 = vector.broadcast %broadcast_in_dim3A_113 : vector<256x1xf32> to vector<256x8xf32>
    %mul3A_137 = arith.mulf %convert_element_type3A_123, %mul3A_136 : vector<256x8xf32>
    %add3A_138 = arith.addf %mul3A_135, %mul3A_137 : vector<256x8xf32>
    %mul3A_139 = vector.broadcast %min3A : vector<256x1xf32> to vector<256x8xf32>
    %mul3A_140 = arith.mulf %convert_element_type3A_128, %mul3A_139 : vector<256x8xf32>
    %add3A_141 = arith.addf %add3A_138, %mul3A_140 : vector<256x8xf32>
    %mul3A_142 = vector.broadcast %max3A : vector<256x1xf32> to vector<256x8xf32>
    %mul3A_143 = arith.mulf %convert_element_type3A_133, %mul3A_142 : vector<256x8xf32>
    %add3A_144 = arith.addf %add3A_141, %mul3A_143 : vector<256x8xf32>
    %swap3A_145 = arith.constant 0 : index
    %swap3A_146 = arith.constant 0 : index
    %swap3A_147 = vector.load %arg4[%swap3A_145, %swap3A_146] : memref<256x8xf32, #tpu.memory_space<vmem>>, vector<256x8xf32>
    tpu.vector_store %arg4[%swap3A_145, %swap3A_146], %add3A_144 {strides = array<i32>} : memref<256x8xf32, #tpu.memory_space<vmem>>, vector<256x8xf32>,
    %broadcast_in_dim3A_148 = vector.shape_cast %add3A_89 : vector<256x1xf32> to vector<256x1xf32>
    %broadcast_in_dim3A_149 = vector.broadcast %broadcast_in_dim3A_148 : vector<256x1xf32> to vector<256x16xf32>
    %swap3A_150 = arith.constant 0 : index
    %swap3A_151 = arith.constant 0 : index
    %swap3A_152 = vector.load %arg5[%swap3A_150, %swap3A_151] : memref<256x16xf32, #tpu.memory_space<vmem>>, vector<256x16xf32>
    tpu.vector_store %arg5[%swap3A_150, %swap3A_151], %broadcast_in_dim3A_149 {strides = array<i32>} : memref<256x16xf32, #tpu.memory_space<vmem>>, vector<256x16xf32>,
    %broadcast_in_dim3A_153 = vector.shape_cast %add3A_95 : vector<256x1xf32> to vector<256x1xf32>
    %broadcast_in_dim3A_154 = vector.broadcast %broadcast_in_dim3A_153 : vector<256x1xf32> to vector<256x16xf32>
    %swap3A_155 = arith.constant 0 : index
    %swap3A_156 = arith.constant 0 : index
    %swap3A_157 = vector.load %arg6[%swap3A_155, %swap3A_156] : memref<256x16xf32, #tpu.memory_space<vmem>>, vector<256x16xf32>
    tpu.vector_store %arg6[%swap3A_155, %swap3A_156], %broadcast_in_dim3A_154 {strides = array<i32>} : memref<256x16xf32, #tpu.memory_space<vmem>>, vector<256x16xf32>,
    return
  }
  func.func @transform_0(%arg0: i32) -> (i32, i32) {
    %c0_i32 = arith.constant 0 : i32
    %c0_i32_0 = arith.constant 0 : i32
    return %arg0, %c0_i32 : i32, i32
  }
  func.func @transform_1(%arg0: i32) -> (i32, i32) {
    %c0_i32 = arith.constant 0 : i32
    %c0_i32_0 = arith.constant 0 : i32
    %c0_i32_1 = arith.constant 0 : i32
    return %c0_i32, %c0_i32_0 : i32, i32
  }
  func.func @transform_2(%arg0: i32) -> (i32, i32) {
    %c0_i32 = arith.constant 0 : i32
    %c0_i32_0 = arith.constant 0 : i32
    %c0_i32_1 = arith.constant 0 : i32
    return %c0_i32, %c0_i32_0 : i32, i32
  }
  func.func @transform_3(%arg0: i32) -> (i32, i32) {
    %c0_i32 = arith.constant 0 : i32
    %c0_i32_0 = arith.constant 0 : i32
    return %arg0, %c0_i32 : i32, i32
  }
  func.func @transform_4(%arg0: i32) -> (i32, i32) {
    %c0_i32 = arith.constant 0 : i32
    %c0_i32_0 = arith.constant 0 : i32
    return %arg0, %c0_i32 : i32, i32
  }
  func.func @transform_5(%arg0: i32) -> (i32, i32) {
    %c0_i32 = arith.constant 0 : i32
    %c0_i32_0 = arith.constant 0 : i32
    return %arg0, %c0_i32 : i32, i32
  }
  func.func @transform_6(%arg0: i32) -> (i32, i32) {
    %c0_i32 = arith.constant 0 : i32
    %c0_i32_0 = arith.constant 0 : i32
    %c0_i32_1 = arith.constant 0 : i32
    return %c0_i32, %c0_i32_0 : i32, i32
  }
}

module attributes {stable_mosaic.version = 14 : i64} {
  func.func @_ffn_kernel(%arg0: i32, %arg1: memref<16xi32, #tpu.memory_space<smem>>, %arg2: memref<1xi32, #tpu.memory_space<smem>>, %arg3: memref<512x1024xf32, #tpu.memory_space<vmem>>, %arg4: memref<1x2048x1024xbf16, #tpu.memory_space<vmem>>, %arg5: memref<1x2048x1024xbf16, #tpu.memory_space<vmem>>, %arg6: memref<1x1024x2048xbf16, #tpu.memory_space<vmem>>, %arg7: memref<512x1024xf32, #tpu.memory_space<vmem>>) attributes {dimension_semantics = [#tpu.dimension_semantics<arbitrary>], iteration_bounds = array<i64: 16>, scalar_prefetch = 2 : i64, scratch_operands = 0 : i64, tpu.core_type = #tpu.core_type<tc>, window_params = [{transform_indices = @transform_0, window_bounds = array<i64: 512, 1024>}, {transform_indices = @transform_1, window_bounds = array<i64: 1, 2048, 1024>}, {transform_indices = @transform_2, window_bounds = array<i64: 1, 2048, 1024>}, {transform_indices = @transform_3, window_bounds = array<i64: 1, 1024, 2048>}, {transform_indices = @transform_4, window_bounds = array<i64: 512, 1024>}]} {
    %get3A = arith.constant 0 : index
    %get3A_0 = memref.load %arg2[%get3A] : memref<1xi32, #tpu.memory_space<smem>>
    %lt3A = arith.cmpi slt, %arg0, %get3A_0 : i32
    %convert_element_type3A = arith.extui %lt3A : i1 to i32
    %cond3A = arith.constant 0 : i32
    %cond3A_1 = arith.cmpi ne, %convert_element_type3A, %cond3A : i32
    scf.if %cond3A_1 {
      %get3A_2 = arith.constant 0 : index
      %get3A_3 = arith.constant 0 : index
      %get3A_4 = vector.load %arg3[%get3A_2, %get3A_3] : memref<512x1024xf32, #tpu.memory_space<vmem>>, vector<512x1024xf32>
      %convert_element_type3A_5 = arith.truncf %get3A_4 : vector<512x1024xf32> to vector<512x1024xbf16>
      %get3A_6 = arith.constant 0 : index
      %get3A_7 = arith.constant 0 : index
      %get3A_8 = arith.constant 0 : index
      %get3A_9 = vector.load %arg4[%get3A_6, %get3A_7, %get3A_8] : memref<1x2048x1024xbf16, #tpu.memory_space<vmem>>, vector<1x2048x1024xbf16>
      %get3A_10 = vector.shape_cast %get3A_9 : vector<1x2048x1024xbf16> to vector<2048x1024xbf16>
      %dot_general3A = arith.constant dense<0.000000e+00> : vector<512x2048xf32>
      %dot_general3A_11 = tpu.matmul %convert_element_type3A_5, %get3A_10, %dot_general3A {dimension_numbers = #tpu.dot_dimension_numbers<[1], [1], [0], [0], [0, 0, 1, 0], [], []>, transpose_lhs_hint = false} : vector<512x1024xbf16>, vector<2048x1024xbf16>, vector<512x2048xf32> -> vector<512x2048xf32>
      %get3A_12 = arith.constant 0 : index
      %get3A_13 = arith.constant 0 : index
      %get3A_14 = arith.constant 0 : index
      %get3A_15 = vector.load %arg5[%get3A_12, %get3A_13, %get3A_14] : memref<1x2048x1024xbf16, #tpu.memory_space<vmem>>, vector<1x2048x1024xbf16>
      %get3A_16 = vector.shape_cast %get3A_15 : vector<1x2048x1024xbf16> to vector<2048x1024xbf16>
      %dot_general3A_17 = arith.constant dense<0.000000e+00> : vector<512x2048xf32>
      %dot_general3A_18 = tpu.matmul %convert_element_type3A_5, %get3A_16, %dot_general3A_17 {dimension_numbers = #tpu.dot_dimension_numbers<[1], [1], [0], [0], [0, 0, 1, 0], [], []>, transpose_lhs_hint = false} : vector<512x1024xbf16>, vector<2048x1024xbf16>, vector<512x2048xf32> -> vector<512x2048xf32>
      %logistic3A = arith.negf %dot_general3A_11 : vector<512x2048xf32>
      %logistic3A_19 = math.exp %logistic3A : vector<512x2048xf32>
      %logistic3A_20 = arith.constant 1.000000e+00 : f32
      %logistic3A_21 = vector.broadcast %logistic3A_20 : f32 to vector<512x2048xf32>
      %logistic3A_22 = arith.addf %logistic3A_21, %logistic3A_19 : vector<512x2048xf32>
      %logistic3A_23 = arith.divf %logistic3A_21, %logistic3A_22 : vector<512x2048xf32>
      %mul3A = arith.mulf %dot_general3A_11, %logistic3A_23 : vector<512x2048xf32>
      %mul3A_24 = arith.mulf %mul3A, %dot_general3A_18 : vector<512x2048xf32>
      %convert_element_type3A_25 = arith.truncf %mul3A_24 : vector<512x2048xf32> to vector<512x2048xbf16>
      %get3A_26 = arith.constant 0 : index
      %get3A_27 = arith.constant 0 : index
      %get3A_28 = arith.constant 0 : index
      %get3A_29 = vector.load %arg6[%get3A_26, %get3A_27, %get3A_28] : memref<1x1024x2048xbf16, #tpu.memory_space<vmem>>, vector<1x1024x2048xbf16>
      %get3A_30 = vector.shape_cast %get3A_29 : vector<1x1024x2048xbf16> to vector<1024x2048xbf16>
      %dot_general3A_31 = arith.constant dense<0.000000e+00> : vector<512x1024xf32>
      %dot_general3A_32 = tpu.matmul %convert_element_type3A_25, %get3A_30, %dot_general3A_31 {dimension_numbers = #tpu.dot_dimension_numbers<[1], [1], [0], [0], [0, 0, 1, 0], [], []>, transpose_lhs_hint = false} : vector<512x2048xbf16>, vector<1024x2048xbf16>, vector<512x1024xf32> -> vector<512x1024xf32>
      %swap3A = arith.constant 0 : index
      %swap3A_33 = arith.constant 0 : index
      %swap3A_34 = vector.load %arg7[%swap3A, %swap3A_33] : memref<512x1024xf32, #tpu.memory_space<vmem>>, vector<512x1024xf32>
      tpu.vector_store %arg7[%swap3A, %swap3A_33], %dot_general3A_32 {strides = array<i32>} : memref<512x1024xf32, #tpu.memory_space<vmem>>, vector<512x1024xf32>,
    } else {
    }
    return
  }
  func.func @transform_0(%arg0: i32, %arg1: memref<16xi32, #tpu.memory_space<smem>>, %arg2: memref<1xi32, #tpu.memory_space<smem>>) -> (i32, i32) {
    %c0_i32 = arith.constant 0 : i32
    %c0_i32_0 = arith.constant 0 : i32
    return %arg0, %c0_i32 : i32, i32
  }
  func.func @transform_1(%arg0: i32, %arg1: memref<16xi32, #tpu.memory_space<smem>>, %arg2: memref<1xi32, #tpu.memory_space<smem>>) -> (i32, i32, i32) {
    %get3A = arith.index_cast %arg0 : i32 to index
    %get3A_0 = memref.load %arg1[%get3A] : memref<16xi32, #tpu.memory_space<smem>>
    %c0_i32 = arith.constant 0 : i32
    %c0_i32_1 = arith.constant 0 : i32
    %c0_i32_2 = arith.constant 0 : i32
    return %get3A_0, %c0_i32, %c0_i32_1 : i32, i32, i32
  }
  func.func @transform_2(%arg0: i32, %arg1: memref<16xi32, #tpu.memory_space<smem>>, %arg2: memref<1xi32, #tpu.memory_space<smem>>) -> (i32, i32, i32) {
    %get3A = arith.index_cast %arg0 : i32 to index
    %get3A_0 = memref.load %arg1[%get3A] : memref<16xi32, #tpu.memory_space<smem>>
    %c0_i32 = arith.constant 0 : i32
    %c0_i32_1 = arith.constant 0 : i32
    %c0_i32_2 = arith.constant 0 : i32
    return %get3A_0, %c0_i32, %c0_i32_1 : i32, i32, i32
  }
  func.func @transform_3(%arg0: i32, %arg1: memref<16xi32, #tpu.memory_space<smem>>, %arg2: memref<1xi32, #tpu.memory_space<smem>>) -> (i32, i32, i32) {
    %get3A = arith.index_cast %arg0 : i32 to index
    %get3A_0 = memref.load %arg1[%get3A] : memref<16xi32, #tpu.memory_space<smem>>
    %c0_i32 = arith.constant 0 : i32
    %c0_i32_1 = arith.constant 0 : i32
    %c0_i32_2 = arith.constant 0 : i32
    return %get3A_0, %c0_i32, %c0_i32_1 : i32, i32, i32
  }
  func.func @transform_4(%arg0: i32, %arg1: memref<16xi32, #tpu.memory_space<smem>>, %arg2: memref<1xi32, #tpu.memory_space<smem>>) -> (i32, i32) {
    %c0_i32 = arith.constant 0 : i32
    %c0_i32_0 = arith.constant 0 : i32
    return %arg0, %c0_i32 : i32, i32
  }
}

</mosaic_0001>

<sc_bundles>
// kernel: kernel.6.cloned.1.call-start
scs
__scs_entry_jumppad:
0x0: {  	(pc) =	sbr.rel $0x88, $3  }
0x1: {  	(tag) =	ssettag $0x0;
	lr =	simm.s32 $0x1  }
0x2: {  	[smem:$0x3F9B] =	sst lr;
	_ =	strace $0xD0000000  }
0x3: {  	_ = 	snop  }
0x4: {  	_ = 	snop  }
0x5: {  	_ = 	snop  }
0x6: {  	_ = 	snop  }
0x7: {  	_ = 	snop  }
__scs_overlays_trampoline_lowered:
0x8: {  	[smem:$0x3FAA] =	sst s0  }
0x9: {  	[smem:$0x3FAB] =	sst s1  }
0xa: {  	[smem:$0x3FAC] =	sst s2  }
0xb: {  	[smem:$0x3FAD] =	sst s3  }
0xc: {  	[smem:$0x3FAE] =	sst s4  }
0xd: {  	[smem:$0x3FAF] =	sst s5  }
0xe: {  	[smem:$0x3FB0] =	sst s6  }
0xf: {  	[smem:$0x3FB1] =	sst s7  }
0x10: {  	[smem:$0x3FB2] =	sst s8  }
0x11: {  	[smem:$0x3FB3] =	sst s9;
	s0 =	simm.s32 @!p0 $0x0  }
0x12: {  	s1 =	sld [smem:$0x3F99];
	s0 =	simm.s32 @p0 $0x1  }
0x13: {  	[smem:$0x3FB4] =	sst s0;
	s0 =	simm.s32 @!p1 $0x0  }
0x14: {  	s2 =	sld [smem:$0x3F98];
	s0 =	simm.s32 @p1 $0x1  }
0x15: {  	[smem:$0x3FB5] =	sst s0;
	s0 =	simm.s32 @!p2 $0x0  }
0x16: {  	s3 =	sld [smem:$0x3FDB];
	s0 =	simm.s32 @p2 $0x1  }
0x17: {  	s4 =	simm.s32 $0x1BF5;
	[smem:$0x3FB7] =	sst s0  }
0x18: {  	s0 =	sld [smem:$0x3F9A];
	_ =	swait.ge [sflag:s4], $0x0  }
0x19: {  	s7 =	sld [smem:$0x3F9B]  }
0x1a: {  	s8 =	sadd.s32 $0xFFFFE003, lr  }
0x1b: {  	s9 =	sadd.s32 $0xFFFFFEF7, lr;
	s5 =	simm.s32 $0xFFFFFFFF;
	p2 =	slt.u32 s8, $0xFFFFF086  }
0x1c: {  	p1 =	slt.u32 s9, $0xF7A;
	s5 =	simm.s32 @!p2 $0x0  }
0x1d: {  	s5 =	simm.s32 @p1 $0x1;
	p0 =	seq.s32 s7, s2  }
0x1e: {  	s7 =	smul.u32 @!p0 $0xF7A, s2;
	p2 =	seq.s32 @!p0 s5, $0x0  }
0x1f: {  	s9 =	smul.u32 $0xF7A, s1;
	s8 =	simm.s32 @!p0 $0x1BF5;
	p2 =	por !p2, p0  }
0x20: {  	[sflag:s8] =	ssyncset.s32 @!p0 $0xFFFFF086;
	s6 =	sadd.s32 @!p0 s3, s7;
	s7 =	simm.s32 @!p0 $0x108  }
0x21: {  	s3 =	sadd.s32 s3, s9;
	s6 =	sadd.s32 @!p0 $0x88, s6;
	s7 =	simm.s32 @p2 $0x1082  }
0x22: {  	[simem:s7], [sflag:s8] =	dma.local @!p0 [hbm:s6], $0xF7A  }
0x23: {  	s9 =	sor.u32 $0xD0000000, s2;
	s6 =	simm.s32 $0x108;
	_ =	swait.ge @!p0 [sflag:s8], $0x0  }
0x24: {  	s3 =	sadd.s32 $0x88, s3;
	s6 =	simm.s32 @!p1 $0x1082;
	[sflag:s4] =	ssyncset.s32 $0xFFFFF086  }
0x25: {  	[simem:s6], [sflag:s4] =	dma.local [hbm:s3], $0xF7A  }
0x26: {  	[smem:$0x3F9B] =	sst s1;
	(tag) =	ssettag s2;
	_ =	strace s9  }
0x27: {  	s1 =	sld [smem:$0x3FAB]  }
0x28: {  	s2 =	sld [smem:$0x3FAC]  }
0x29: {  	s4 =	sld [smem:$0x3FAE]  }
0x2a: {  	p0 =	seq.s32 s5, $0x0;
	s5 =	sld [smem:$0x3FAF]  }
0x2b: {  	s6 =	sld [smem:$0x3FB0]  }
0x2c: {  	s7 =	sld [smem:$0x3FB1]  }
0x2d: {  	s3 =	simm.s32 $0x108;
	s8 =	sld [smem:$0x3FB2]  }
0x2e: {  	s3 =	simm.s32 @!p0 $0x1082;
	s9 =	sld [smem:$0x3FB3]  }
0x2f: {  	lr =	sadd.s32 s0, s3;
	s0 =	sld [smem:$0x3FAA]  }
0x30: {  	s3 =	sld [smem:$0x3FAD]  }
0x31: {  	[smem:$0x3FB6] =	sst s10  }
0x32: {  	s10 =	sld [smem:$0x3FB4];
	_ =	sdelay $0x3  }
0x33: {  	p0 =	seq.s32 s10, $0x1;
	s10 =	sld [smem:$0x3FB6];
	_ =	sdelay $0x3  }
0x34: {  	[smem:$0x3FB6] =	sst s10  }
0x35: {  	s10 =	sld [smem:$0x3FB5];
	_ =	sdelay $0x3  }
0x36: {  	p1 =	seq.s32 s10, $0x1;
	s10 =	sld [smem:$0x3FB6];
	_ =	sdelay $0x3  }
0x37: {  	[smem:$0x3FB6] =	sst s10  }
0x38: {  	s10 =	sld [smem:$0x3FB7]  }
0x39: {  	_ = 	snop;
	(pc) =	sbr.ind lr, $3  }
0x3a: {  	_ = 	snop  }
0x3b: {  	_ = 	snop  }
0x3c: {  	p2 =	seq.s32 s10, $0x1;
	s10 =	sld [smem:$0x3FB6]  }
0x3d: {  	_ =	shalt  }
0x3e: {  	_ =	shalt  }
0x3f: {  	_ =	shalt  }
0x40: {  	_ =	shalt  }
0x41: {  	_ =	shalt  }
0x42: {  	_ =	shalt  }
0x43: {  	_ =	shalt  }
0x44: {  	_ =	shalt  }
0x45: {  	_ =	shalt  }
0x46: {  	_ =	shalt  }
0x47: {  	_ =	shalt  }
0x48: {  	_ =	shalt  }
0x49: {  	_ =	shalt  }
0x4a: {  	_ =	shalt  }
0x4b: {  	_ =	shalt  }
0x4c: {  	_ =	shalt  }
0x4d: {  	_ =	shalt  }
0x4e: {  	_ =	shalt  }
0x4f: {  	_ =	shalt  }
0x50: {  	_ =	shalt  }
0x51: {  	_ =	shalt  }
0x52: {  	_ =	shalt  }
0x53: {  	_ =	shalt  }
0x54: {  	_ =	shalt  }
0x55: {  	_ =	shalt  }
0x56: {  	_ =	shalt  }
0x57: {  	_ =	shalt  }
0x58: {  	_ =	shalt  }
0x59: {  	_ =	shalt  }
0x5a: {  	_ =	shalt  }
0x5b: {  	_ =	shalt  }
0x5c: {  	_ =	shalt  }
0x5d: {  	_ =	shalt  }
0x5e: {  	_ =	shalt  }
0x5f: {  	_ =	shalt  }
0x60: {  	_ =	shalt  }
0x61: {  	_ =	shalt  }
0x62: {  	_ =	shalt  }
0x63: {  	_ =	shalt  }
0x64: {  	_ =	shalt  }
0x65: {  	_ =	shalt  }
0x66: {  	_ =	shalt  }
0x67: {  	_ =	shalt  }
0x68: {  	_ =	shalt  }
0x69: {  	_ =	shalt  }
0x6a: {  	_ =	shalt  }
0x6b: {  	_ =	shalt  }
0x6c: {  	_ =	shalt  }
0x6d: {  	_ =	shalt  }
0x6e: {  	_ =	shalt  }
0x6f: {  	_ =	shalt  }
0x70: {  	_ =	shalt  }
0x71: {  	_ =	shalt  }
0x72: {  	_ =	shalt  }
0x73: {  	_ =	shalt  }
0x74: {  	_ =	shalt  }
0x75: {  	_ =	shalt  }
0x76: {  	_ =	shalt  }
0x77: {  	_ =	shalt  }
0x78: {  	_ =	shalt  }
0x79: {  	_ =	shalt  }
0x7a: {  	_ =	shalt  }
0x7b: {  	_ =	shalt  }
0x7c: {  	_ =	shalt  }
0x7d: {  	_ =	shalt  }
0x7e: {  	_ =	shalt  }
0x7f: {  	_ =	shalt  }
0x80: {  	_ =	shalt  }
0x81: {  	_ =	shalt  }
0x82: {  	_ =	shalt  }
0x83: {  	_ =	shalt  }
0x84: {  	_ =	shalt  }
0x85: {  	_ =	shalt  }
0x86: {  	_ =	shalt  }
0x87: {  	_ =	shalt  }
.Lfunc_end0:
.L_simem_size_0:
called_computation_lowered:
.L_overlay_start_0:
0x88: {  	s2 =	sld [smem:$0x3FD9]  }
0x89: {  	s3 =	sld [smem:$0x3FFE];
	_ =	sdelay $0x1  }
0x8a: {  	s1 =	srdreg.scid  }
0x8b: {  	s0 =	sand.u32 $0x1, s1  }
0x8c: {  	s17 =	sshll.u32 s0, $0xA;
	s2 =	sadd.s32 s3, s2  }
0x8d: {  	s2 =	sadd.s32 s2, s17  }
0x8e: {  	[smem:$0x3FC2] =	sst s2  }
0x8f: {  	_ = 	snop  }
0x90: {  	s2 =	sld [smem:$0x3FD0];
	(tm) =	ssettm $0x1  }
0x91: {  	s18 =	sld [smem:$0x3FFB];
	_ =	sdelay $0x3  }
0x92: {  	_ =	strace s18  }
0x93: {  	s3 =	sld [smem:$0x3FFC];
	_ =	sdelay $0x3  }
0x94: {  	_ =	strace s3  }
0x95: {  	s3 =	sld [smem:$0x3FFD];
	_ =	sdelay $0x3  }
0x96: {  	_ =	strace s3  }
0x97: {  	_ =	strace $0x8FFFFFFF  }
0x98: {  	s19 =	sld [smem:$0x3FDB];
	_ =	sdelay $0x1  }
0x99: {  	s4 =	simm.s32 $_scs_section_size  }
0x9a: {  	s5 =	simm.s32 $_size__tile_overlayer_lowered;
	s6 =	simm.s32 $_tile_overlayer_lowered  }
0x9b: {  	s22 =	simm.s32 $0x1BFF;
	s21 =	sshll.u32 s6, $0x1;
	s3 =	sadd.s32 s4, s19  }
0x9c: {  	s7 =	simm.s32 $0x0;
	s20 =	sshll.u32 s5, $0x1;
	s5 =	sadd.s32 s21, s3  }
0x9d: {  	[timem:s7], [sflag:s22] =	dma.local [hbm:s5], s20  }
0x9e: {  	_ =	swait.ge [sflag:s22], s20  }
0x9f: {  	s4 =	ssub.s32 $0x0, s20;
	[sflag:s22] =	ssyncset.done $0x0  }
0xa0: {  	[sflag:s22] =	ssyncadd.s32 s4;
	_ =	sdelay $0x1  }
0xa1: {  	s23 =	simm.s32 $0x1B8B  }
0xa2: {  	_ =	swait.ge [sflag:s23], $0x1  }
0xa3: {  	[sflag:s23] =	ssyncset.done $0x0  }
0xa4: {  	s25 =	simm.s32 $0x1B8E;
	s24 =	sld [smem:$0x3FFE];
	[sflag:s23] =	ssyncadd.s32 $0xFFFFFFFF  }
0xa5: {  	s26 =	simm.s32 $execute0_lowered;
	[smem:$0x3FD2] =	sst s25  }
0xa6: {  	s5 =	sshll.u32 s26, $0x1;
	_ =	strace $0x80000046;
	[dreg:$0x1] =	wrdreg $0xFFFFFFFF  }
0xa7: {  	s28 =	simm.s32 $_size_execute0_lowered;
	s3 =	sadd.s32 s3, s5;
	[dreg:$0x0] =	wrdreg $0x0  }
0xa8: {  	s5 =	sshll.u32 s28, $0x1;
	[dreg:$0x2] =	wrdreg s3  }
0xa9: {  	[dreg:$0x3] =	wrdreg s5  }
0xaa: {  	[dreg:$0x4] =	wrdreg $0xC0  }
0xab: {  	_ =	task [dreg:s7], $0x5FFFF  }
0xac: {  	[dreg:$0x1] =	wrdreg $0xFFFFFFFF  }
0xad: {  	[dreg:$0x0] =	wrdreg $0x60  }
0xae: {  	[dreg:$0x2] =	wrdreg s24  }
0xaf: {  	[dreg:$0x3] =	wrdreg s2  }
0xb0: {  	[dreg:$0x4] =	wrdreg $0x9  }
0xb1: {  	_ =	task.clear_ibuf [dreg:s7], $0x5FFFF;
	_ =	strace $0x90000046  }
0xb2: {  	s29 =	simm.s32 $0x9;
	_ =	strace $0x80000048  }
0xb3: {  	_ =	swait.ge [sflag:s29], $0x1  }
0xb4: {  	[sflag:s29] =	ssyncadd.s32 $0xFFFFFFFF  }
0xb5: {  	_ =	strace $0x90000048  }
0xb6: {  	_ =	sfence  }
0xb7: {  	s30 =	sld [smem:$0x0];
	_ =	sdelay $0x2  }
0xb8: {  	s31 =	sshll.u32 s1, $0xD;
	s1 =	sshrl.u32 s1, $0x2  }
0xb9: {  	s3 =	sand.u32 $0x4000, s31;
	s1 =	sadd.s32 s1, s30  }
0xba: {  	s0 =	sor.u32 s3, s0;
	s1 =	sshll.u32 s1, $0x11  }
0xbb: {  	s0 =	sor.u32 s1, s0  }
0xbc: {  	s0 =	sadd.s32 $0x8F2B, s0  }
0xbd: {  	[sflag:s0] =	ssyncadd.remote.s32 $0x1  }
0xbe: {  	_ =	sfence.sel $0xFFFF  }
0xbf: {  	[dreg:$0x0] =	wrdreg $0xFFFFFFFF;
	(pc) =	sbr.abs _section_cstart, $3  }
0xc0: {  	[dreg:$0x1] =	wrdreg $0xFFFFFFFF  }
0xc1: {  	_ =	task.clear_ibuf [dreg:s7], $0x2FFFF;
	_ =	strace $0x9FFFFFFF  }
0xc2: {  	(tm) =	ssettm $0x7FFFFFFF  }
0xc3: {  	_ =	shalt  }
tec
execute0_lowered:
.L_overlay_start_1:
0x0: {  	(tag) =	ssettag $0x1  }
0x1: {  	s0 =	rddreg [dreg:$0x0]  }
0x2: {  	s1 =	rddreg [dreg:$0x1];
	s2 =	simm.s32 $0x0;
	s3 =	srdreg.scid  }
0x3: {  	s4 =	stileid.u32;
	s18 =	simm.s32 $0x1;
	s28 =	simm.s32 $0x4080  }
0x4: {  	s29 =	simm.s32 $0x4880;
	s30 =	simm.s32 $0x5080;
	s31 =	simm.s32 $0x5880  }
0x5: {  	s10 =	simm.s32 $0x7080;
	s11 =	simm.s32 $0x7880;
	s12 =	simm.s32 $0x8080  }
0x6: {  	s13 =	simm.s32 $0x8880;
	s14 =	simm.s32 $0x9080;
	s15 =	simm.s32 $0x9880  }
0x7: {  	s16 =	simm.s32 $0xA080;
	s17 =	simm.s32 $0xA880;
	[smem:$0x7FF] =	sst s2  }
0x8: {  	s3 =	sand.u32 $0x1, s3;
	s4 =	sshll.u32 s4, $0x8;
	s7 =	sadd.s32 $0x10800, s0  }
0x9: {  	_ =	strace $0x80000047;
	s5 =	sshll.u32 s3, $0x7;
	s6 =	ssub.s32 $0x2, s3  }
0xa: {  	s3 =	sadd.s32 $0x90800, s0;
	s4 =	sor.u32 s5, s4;
	s19 =	sshrl.u32 s6, $0x1  }
0xb: {  	s5 =	sadd.s32 $0x90A00, s0;
	s8 =	sshrl.u32 s4, $0x3;
	s9 =	ssub.s32 s6, s19  }
0xc: {  	s21 =	sshll.u32 s4, $0x7;
	s23 =	sor.u32 $0x40, s4;
	s4 =	sadd.s32 $0x90900, s0  }
0xd: {  	s6 =	sadd.s32 $0x90B00, s0;
	s20 =	sadd.s32 s1, s8;
	s22 =	sadd.s32 s7, s21  }
0xe: {  	s24 =	sshrl.u32 s23, $0x3;
	s25 =	sshll.u32 s23, $0x7;
	s8 =	simm.s32 $0x2  }
0xf: {  	s21 =	simm.s32 $0x1080;
	s23 =	simm.s32 $0x2080;
	[dreg:$0x3] =	wrdreg s20  }
0x10: {  	[dreg:$0x4] =	wrdreg s22;
	s1 =	sadd.s32 s1, s24;
	s26 =	sadd.s32 s7, s25  }
0x11: {  	v2 =	vlaneseq.u32;
	s7 =	smax.u32 s9, $0x1;
	s20 =	simm.s32 $0x880;
	s22 =	simm.s32 $0x1880  }
0x12: {  	vm0 =	vmmov $0xffff;
	v1 =	vshrl.u32 v2, $0x3;
	s24 =	simm.s32 $0x2880;
	s25 =	simm.s32 $0x3080;
	[dreg:$0x5] =	wrdreg s1  }
0x13: {  	v0 =	vand.u32 $0x7, v2;
	v2 =	vor.u32 $0x8, v2;
	v1 =	vmul.u32 $0x8, v1;
	s9 =	simm.s32 $0xB080;
	[dreg:$0x6] =	wrdreg s26;
	s26 =	simm.s32 $0x3880  }
.LBB2_1:
0x14: {  	s19 =	rddreg [dreg:$0x3]  }
0x15: {  	[tilespmem:s2], [sflag:$0x2] =	stream.linear.gather [hbm4b:s19+s2], $0x40, $0x38;
	[tilespmem:$0x10080] =	vst v63  }
0x16: {  	_ =	swait.ge [sflag:s8], $0x40  }
0x17: {  	[sflag:s8] =	ssyncset.done $0x0  }
0x18: {  	s0 =	simm.s32 $0x80;
	s1 =	rddreg [dreg:$0x4];
	[sflag:s8] =	ssyncadd.s32 $0xFFFFFFC0  }
0x19: {  	[tilespmem:s0], [sflag:$0x2] =	stream.linear.gather [hbm4b:s1+s2], $0x10000, $0x38;
	[tilespmem:$0x10080] =	vst v63  }
0x1a: {  	_ =	swait.ge [sflag:s8], $0x10000  }
0x1b: {  	[sflag:s8] =	ssyncset.done $0x0  }
0x1c: {  	[sflag:s8] =	ssyncadd.s32 $0xFFFF0000  }
0x1d: {  	v3 =	vld [tilespmem:$0x0];
	_ =	sdelay $0x4  }
0x1e: {  	v4 =	vshll.u32 v3, $0x3  }
0x1f: {  	v3 =	vand.u32 $0x7, v3;
	v4 =	vand.u32 $0xFFFFFFC0, v4  }
0x20: {  	v3 =	vor.u32 v3, v4  }
0x21: {  	v4 =	vperm.xlane v3, v0;
	_ =	sdelay $0x1  }
0x22: {  	v4 =	vadd.s32 v1, v4;
	_ =	sdelay $0x4  }
0x23: {  	[hbm4b:s3+s2] =	stream.indirect_vreg.scatter [tilespmem:s0], [sflag:$0x1], $0x80, v4, vm0, $0xb8;
	[tilespmem:$0x10080] =	vst v63  }
0x24: {  	v3 =	vperm.xlane v3, v2  }
0x25: {  	[hbm4b:s4+s2] =	stream.indirect_vreg.scatter [tilespmem:s20], [sflag:$0x1], $0x80, v4, vm0, $0xb8;
	[tilespmem:$0x10080] =	vst v63  }
0x26: {  	v3 =	vadd.s32 v1, v3  }
0x27: {  	[hbm4b:s5+s2] =	stream.indirect_vreg.scatter [tilespmem:s21], [sflag:$0x1], $0x80, v4, vm0, $0xb8;
	[tilespmem:$0x10080] =	vst v63  }
0x28: {  	_ = 	snop  }
0x29: {  	[hbm4b:s6+s2] =	stream.indirect_vreg.scatter [tilespmem:s22], [sflag:$0x1], $0x80, v4, vm0, $0xb8;
	[tilespmem:$0x10080] =	vst v63  }
0x2a: {  	_ = 	snop  }
0x2b: {  	[hbm4b:s3+s2] =	stream.indirect_vreg.scatter [tilespmem:s23], [sflag:$0x1], $0x80, v3, vm0, $0xb8;
	[tilespmem:$0x10080] =	vst v63  }
0x2c: {  	_ = 	snop  }
0x2d: {  	[hbm4b:s4+s2] =	stream.indirect_vreg.scatter [tilespmem:s24], [sflag:$0x1], $0x80, v3, vm0, $0xb8;
	[tilespmem:$0x10080] =	vst v63  }
0x2e: {  	_ = 	snop  }
0x2f: {  	[hbm4b:s5+s2] =	stream.indirect_vreg.scatter [tilespmem:s25], [sflag:$0x1], $0x80, v3, vm0, $0xb8;
	[tilespmem:$0x10080] =	vst v63  }
0x30: {  	_ = 	snop  }
0x31: {  	[hbm4b:s6+s2] =	stream.indirect_vreg.scatter [tilespmem:s26], [sflag:$0x1], $0x80, v3, vm0, $0xb8;
	[tilespmem:$0x10080] =	vst v63  }
0x32: {  	v3 =	vld [tilespmem:$0x10];
	_ =	sdelay $0x4  }
0x33: {  	v57 =	vshll.u32 v3, $0x3  }
0x34: {  	v3 =	vand.u32 $0x7, v3;
	v4 =	vand.u32 $0xFFFFFFC0, v57  }
0x35: {  	v3 =	vor.u32 v3, v4  }
0x36: {  	v4 =	vperm.xlane v3, v0;
	_ =	sdelay $0x1  }
0x37: {  	v4 =	vadd.s32 v1, v4;
	_ =	sdelay $0x4  }
0x38: {  	[hbm4b:s3+s2] =	stream.indirect_vreg.scatter [tilespmem:s28], [sflag:$0x1], $0x80, v4, vm0, $0xb8;
	[tilespmem:$0x10080] =	vst v63  }
0x39: {  	v3 =	vperm.xlane v3, v2  }
0x3a: {  	[hbm4b:s4+s2] =	stream.indirect_vreg.scatter [tilespmem:s29], [sflag:$0x1], $0x80, v4, vm0, $0xb8;
	[tilespmem:$0x10080] =	vst v63  }
0x3b: {  	v3 =	vadd.s32 v1, v3  }
0x3c: {  	[hbm4b:s5+s2] =	stream.indirect_vreg.scatter [tilespmem:s30], [sflag:$0x1], $0x80, v4, vm0, $0xb8;
	[tilespmem:$0x10080] =	vst v63  }
0x3d: {  	_ = 	snop  }
0x3e: {  	[hbm4b:s6+s2] =	stream.indirect_vreg.scatter [tilespmem:s31], [sflag:$0x1], $0x80, v4, vm0, $0xb8;
	[tilespmem:$0x10080] =	vst v63  }
0x3f: {  	s1 =	simm.s32 $0x6080  }
0x40: {  	[hbm4b:s3+s2] =	stream.indirect_vreg.scatter [tilespmem:s1], [sflag:$0x1], $0x80, v3, vm0, $0xb8;
	[tilespmem:$0x10080] =	vst v63  }
0x41: {  	s1 =	simm.s32 $0x6880  }
0x42: {  	[hbm4b:s4+s2] =	stream.indirect_vreg.scatter [tilespmem:s1], [sflag:$0x1], $0x80, v3, vm0, $0xb8;
	[tilespmem:$0x10080] =	vst v63  }
0x43: {  	_ = 	snop  }
0x44: {  	[hbm4b:s5+s2] =	stream.indirect_vreg.scatter [tilespmem:s10], [sflag:$0x1], $0x80, v3, vm0, $0xb8;
	[tilespmem:$0x10080] =	vst v63  }
0x45: {  	_ = 	snop  }
0x46: {  	[hbm4b:s6+s2] =	stream.indirect_vreg.scatter [tilespmem:s11], [sflag:$0x1], $0x80, v3, vm0, $0xb8;
	[tilespmem:$0x10080] =	vst v63  }
0x47: {  	v3 =	vld [tilespmem:$0x20];
	_ =	sdelay $0x4  }
0x48: {  	v58 =	vshll.u32 v3, $0x3  }
0x49: {  	v3 =	vand.u32 $0x7, v3;
	v4 =	vand.u32 $0xFFFFFFC0, v58  }
0x4a: {  	v3 =	vor.u32 v3, v4  }
0x4b: {  	v4 =	vperm.xlane v3, v0;
	_ =	sdelay $0x1  }
0x4c: {  	v4 =	vadd.s32 v1, v4;
	_ =	sdelay $0x4  }
0x4d: {  	[hbm4b:s3+s2] =	stream.indirect_vreg.scatter [tilespmem:s12], [sflag:$0x1], $0x80, v4, vm0, $0xb8;
	[tilespmem:$0x10080] =	vst v63  }
0x4e: {  	v3 =	vperm.xlane v3, v2  }
0x4f: {  	[hbm4b:s4+s2] =	stream.indirect_vreg.scatter [tilespmem:s13], [sflag:$0x1], $0x80, v4, vm0, $0xb8;
	[tilespmem:$0x10080] =	vst v63  }
0x50: {  	v3 =	vadd.s32 v1, v3  }
0x51: {  	[hbm4b:s5+s2] =	stream.indirect_vreg.scatter [tilespmem:s14], [sflag:$0x1], $0x80, v4, vm0, $0xb8;
	[tilespmem:$0x10080] =	vst v63  }
0x52: {  	_ = 	snop  }
0x53: {  	[hbm4b:s6+s2] =	stream.indirect_vreg.scatter [tilespmem:s15], [sflag:$0x1], $0x80, v4, vm0, $0xb8;
	[tilespmem:$0x10080] =	vst v63  }
0x54: {  	_ = 	snop  }
0x55: {  	[hbm4b:s3+s2] =	stream.indirect_vreg.scatter [tilespmem:s16], [sflag:$0x1], $0x80, v3, vm0, $0xb8;
	[tilespmem:$0x10080] =	vst v63  }
0x56: {  	_ = 	snop  }
0x57: {  	[hbm4b:s4+s2] =	stream.indirect_vreg.scatter [tilespmem:s17], [sflag:$0x1], $0x80, v3, vm0, $0xb8;
	[tilespmem:$0x10080] =	vst v63  }
0x58: {  	_ = 	snop  }
0x59: {  	[hbm4b:s5+s2] =	stream.indirect_vreg.scatter [tilespmem:s9], [sflag:$0x1], $0x80, v3, vm0, $0xb8;
	[tilespmem:$0x10080] =	vst v63  }
0x5a: {  	s19 =	simm.s32 $0xB880  }
0x5b: {  	[hbm4b:s6+s2] =	stream.indirect_vreg.scatter [tilespmem:s19], [sflag:$0x1], $0x80, v3, vm0, $0xb8;
	[tilespmem:$0x10080] =	vst v63  }
0x5c: {  	v3 =	vld [tilespmem:$0x30];
	_ =	sdelay $0x4  }
0x5d: {  	v59 =	vshll.u32 v3, $0x3  }
0x5e: {  	v3 =	vand.u32 $0x7, v3;
	v4 =	vand.u32 $0xFFFFFFC0, v59  }
0x5f: {  	v3 =	vor.u32 v3, v4  }
0x60: {  	v4 =	vperm.xlane v3, v0;
	_ =	sdelay $0x1  }
0x61: {  	v4 =	vadd.s32 v1, v4;
	_ =	sdelay $0x3  }
0x62: {  	s19 =	simm.s32 $0xC080  }
0x63: {  	[hbm4b:s3+s2] =	stream.indirect_vreg.scatter [tilespmem:s19], [sflag:$0x1], $0x80, v4, vm0, $0xb8;
	[tilespmem:$0x10080] =	vst v63  }
0x64: {  	v3 =	vperm.xlane v3, v2;
	s19 =	simm.s32 $0xC880  }
0x65: {  	[hbm4b:s4+s2] =	stream.indirect_vreg.scatter [tilespmem:s19], [sflag:$0x1], $0x80, v4, vm0, $0xb8;
	[tilespmem:$0x10080] =	vst v63  }
0x66: {  	v3 =	vadd.s32 v1, v3;
	s19 =	simm.s32 $0xD080  }
0x67: {  	[hbm4b:s5+s2] =	stream.indirect_vreg.scatter [tilespmem:s19], [sflag:$0x1], $0x80, v4, vm0, $0xb8;
	[tilespmem:$0x10080] =	vst v63  }
0x68: {  	s19 =	simm.s32 $0xD880  }
0x69: {  	[hbm4b:s6+s2] =	stream.indirect_vreg.scatter [tilespmem:s19], [sflag:$0x1], $0x80, v4, vm0, $0xb8;
	[tilespmem:$0x10080] =	vst v63  }
0x6a: {  	s19 =	simm.s32 $0xE080  }
0x6b: {  	[hbm4b:s3+s2] =	stream.indirect_vreg.scatter [tilespmem:s19], [sflag:$0x1], $0x80, v3, vm0, $0xb8;
	[tilespmem:$0x10080] =	vst v63  }
0x6c: {  	s19 =	simm.s32 $0xE880  }
0x6d: {  	[hbm4b:s4+s2] =	stream.indirect_vreg.scatter [tilespmem:s19], [sflag:$0x1], $0x80, v3, vm0, $0xb8;
	[tilespmem:$0x10080] =	vst v63  }
0x6e: {  	s19 =	simm.s32 $0xF080  }
0x6f: {  	[hbm4b:s5+s2] =	stream.indirect_vreg.scatter [tilespmem:s19], [sflag:$0x1], $0x80, v3, vm0, $0xb8;
	[tilespmem:$0x10080] =	vst v63  }
0x70: {  	s19 =	simm.s32 $0xF880  }
0x71: {  	[hbm4b:s6+s2] =	stream.indirect_vreg.scatter [tilespmem:s19], [sflag:$0x1], $0x80, v3, vm0, $0xb8;
	[tilespmem:$0x10080] =	vst v63  }
0x72: {  	_ =	swait.ge [sflag:s18], $0x10000  }
0x73: {  	[sflag:s18] =	ssyncset.done $0x0  }
0x74: {  	s19 =	rddreg [dreg:$0x5];
	[sflag:s18] =	ssyncadd.s32 $0xFFFF0000  }
0x75: {  	[tilespmem:s2], [sflag:$0x2] =	stream.linear.gather [hbm4b:s19+s2], $0x40, $0x38;
	[tilespmem:$0x10080] =	vst v63  }
0x76: {  	_ =	swait.ge [sflag:s8], $0x40  }
0x77: {  	[sflag:s8] =	ssyncset.done $0x0  }
0x78: {  	s19 =	rddreg [dreg:$0x6];
	[sflag:s8] =	ssyncadd.s32 $0xFFFFFFC0  }
0x79: {  	[tilespmem:s0], [sflag:$0x2] =	stream.linear.gather [hbm4b:s19+s2], $0x10000, $0x38;
	[tilespmem:$0x10080] =	vst v63  }
0x7a: {  	_ =	swait.ge [sflag:s8], $0x10000  }
0x7b: {  	[sflag:s8] =	ssyncset.done $0x0  }
0x7c: {  	[sflag:s8] =	ssyncadd.s32 $0xFFFF0000  }
0x7d: {  	v3 =	vld [tilespmem:$0x0];
	_ =	sdelay $0x4  }
0x7e: {  	v60 =	vshll.u32 v3, $0x3  }
0x7f: {  	v3 =	vand.u32 $0x7, v3;
	v4 =	vand.u32 $0xFFFFFFC0, v60  }
0x80: {  	v3 =	vor.u32 v3, v4  }
0x81: {  	v4 =	vperm.xlane v3, v0;
	_ =	sdelay $0x1  }
0x82: {  	v4 =	vadd.s32 v1, v4;
	_ =	sdelay $0x4  }
0x83: {  	[hbm4b:s3+s2] =	stream.indirect_vreg.scatter [tilespmem:s0], [sflag:$0x1], $0x80, v4, vm0, $0xb8;
	[tilespmem:$0x10080] =	vst v63  }
0x84: {  	v3 =	vperm.xlane v3, v2  }
0x85: {  	[hbm4b:s4+s2] =	stream.indirect_vreg.scatter [tilespmem:s20], [sflag:$0x1], $0x80, v4, vm0, $0xb8;
	[tilespmem:$0x10080] =	vst v63  }
0x86: {  	v3 =	vadd.s32 v1, v3  }
0x87: {  	[hbm4b:s5+s2] =	stream.indirect_vreg.scatter [tilespmem:s21], [sflag:$0x1], $0x80, v4, vm0, $0xb8;
	[tilespmem:$0x10080] =	vst v63  }
0x88: {  	_ = 	snop  }
0x89: {  	[hbm4b:s6+s2] =	stream.indirect_vreg.scatter [tilespmem:s22], [sflag:$0x1], $0x80, v4, vm0, $0xb8;
	[tilespmem:$0x10080] =	vst v63  }
0x8a: {  	_ = 	snop  }
0x8b: {  	[hbm4b:s3+s2] =	stream.indirect_vreg.scatter [tilespmem:s23], [sflag:$0x1], $0x80, v3, vm0, $0xb8;
	[tilespmem:$0x10080] =	vst v63  }
0x8c: {  	_ = 	snop  }
0x8d: {  	[hbm4b:s4+s2] =	stream.indirect_vreg.scatter [tilespmem:s24], [sflag:$0x1], $0x80, v3, vm0, $0xb8;
	[tilespmem:$0x10080] =	vst v63  }
0x8e: {  	_ = 	snop  }
0x8f: {  	[hbm4b:s5+s2] =	stream.indirect_vreg.scatter [tilespmem:s25], [sflag:$0x1], $0x80, v3, vm0, $0xb8;
	[tilespmem:$0x10080] =	vst v63  }
0x90: {  	_ = 	snop  }
0x91: {  	[hbm4b:s6+s2] =	stream.indirect_vreg.scatter [tilespmem:s26], [sflag:$0x1], $0x80, v3, vm0, $0xb8;
	[tilespmem:$0x10080] =	vst v63  }
0x92: {  	v3 =	vld [tilespmem:$0x10];
	_ =	sdelay $0x4  }
0x93: {  	v61 =	vshll.u32 v3, $0x3  }
0x94: {  	v3 =	vand.u32 $0x7, v3;
	v4 =	vand.u32 $0xFFFFFFC0, v61  }
0x95: {  	v3 =	vor.u32 v3, v4  }
0x96: {  	v4 =	vperm.xlane v3, v0;
	_ =	sdelay $0x1  }
0x97: {  	v4 =	vadd.s32 v1, v4;
	_ =	sdelay $0x4  }
0x98: {  	[hbm4b:s3+s2] =	stream.indirect_vreg.scatter [tilespmem:s28], [sflag:$0x1], $0x80, v4, vm0, $0xb8;
	[tilespmem:$0x10080] =	vst v63  }
0x99: {  	v3 =	vperm.xlane v3, v2  }
0x9a: {  	[hbm4b:s4+s2] =	stream.indirect_vreg.scatter [tilespmem:s29], [sflag:$0x1], $0x80, v4, vm0, $0xb8;
	[tilespmem:$0x10080] =	vst v63  }
0x9b: {  	v3 =	vadd.s32 v1, v3  }
0x9c: {  	[hbm4b:s5+s2] =	stream.indirect_vreg.scatter [tilespmem:s30], [sflag:$0x1], $0x80, v4, vm0, $0xb8;
	[tilespmem:$0x10080] =	vst v63  }
0x9d: {  	_ = 	snop  }
0x9e: {  	[hbm4b:s6+s2] =	stream.indirect_vreg.scatter [tilespmem:s31], [sflag:$0x1], $0x80, v4, vm0, $0xb8;
	[tilespmem:$0x10080] =	vst v63  }
0x9f: {  	s19 =	simm.s32 $0x6080  }
0xa0: {  	[hbm4b:s3+s2] =	stream.indirect_vreg.scatter [tilespmem:s19], [sflag:$0x1], $0x80, v3, vm0, $0xb8;
	[tilespmem:$0x10080] =	vst v63  }
0xa1: {  	_ = 	snop  }
0xa2: {  	[hbm4b:s4+s2] =	stream.indirect_vreg.scatter [tilespmem:s1], [sflag:$0x1], $0x80, v3, vm0, $0xb8;
	[tilespmem:$0x10080] =	vst v63  }
0xa3: {  	_ = 	snop  }
0xa4: {  	[hbm4b:s5+s2] =	stream.indirect_vreg.scatter [tilespmem:s10], [sflag:$0x1], $0x80, v3, vm0, $0xb8;
	[tilespmem:$0x10080] =	vst v63  }
0xa5: {  	_ = 	snop  }
0xa6: {  	[hbm4b:s6+s2] =	stream.indirect_vreg.scatter [tilespmem:s11], [sflag:$0x1], $0x80, v3, vm0, $0xb8;
	[tilespmem:$0x10080] =	vst v63  }
0xa7: {  	v3 =	vld [tilespmem:$0x20];
	_ =	sdelay $0x4  }
0xa8: {  	v62 =	vshll.u32 v3, $0x3  }
0xa9: {  	v3 =	vand.u32 $0x7, v3;
	v4 =	vand.u32 $0xFFFFFFC0, v62  }
0xaa: {  	v3 =	vor.u32 v3, v4  }
0xab: {  	v4 =	vperm.xlane v3, v0;
	_ =	sdelay $0x1  }
0xac: {  	v4 =	vadd.s32 v1, v4;
	_ =	sdelay $0x4  }
0xad: {  	[hbm4b:s3+s2] =	stream.indirect_vreg.scatter [tilespmem:s12], [sflag:$0x1], $0x80, v4, vm0, $0xb8;
	[tilespmem:$0x10080] =	vst v63  }
0xae: {  	v3 =	vperm.xlane v3, v2  }
0xaf: {  	[hbm4b:s4+s2] =	stream.indirect_vreg.scatter [tilespmem:s13], [sflag:$0x1], $0x80, v4, vm0, $0xb8;
	[tilespmem:$0x10080] =	vst v63  }
0xb0: {  	v3 =	vadd.s32 v1, v3  }
0xb1: {  	[hbm4b:s5+s2] =	stream.indirect_vreg.scatter [tilespmem:s14], [sflag:$0x1], $0x80, v4, vm0, $0xb8;
	[tilespmem:$0x10080] =	vst v63  }
0xb2: {  	_ = 	snop  }
0xb3: {  	[hbm4b:s6+s2] =	stream.indirect_vreg.scatter [tilespmem:s15], [sflag:$0x1], $0x80, v4, vm0, $0xb8;
	[tilespmem:$0x10080] =	vst v63  }
0xb4: {  	_ = 	snop  }
0xb5: {  	[hbm4b:s3+s2] =	stream.indirect_vreg.scatter [tilespmem:s16], [sflag:$0x1], $0x80, v3, vm0, $0xb8;
	[tilespmem:$0x10080] =	vst v63  }
0xb6: {  	_ = 	snop  }
0xb7: {  	[hbm4b:s4+s2] =	stream.indirect_vreg.scatter [tilespmem:s17], [sflag:$0x1], $0x80, v3, vm0, $0xb8;
	[tilespmem:$0x10080] =	vst v63  }
0xb8: {  	_ = 	snop  }
0xb9: {  	[hbm4b:s5+s2] =	stream.indirect_vreg.scatter [tilespmem:s9], [sflag:$0x1], $0x80, v3, vm0, $0xb8;
	[tilespmem:$0x10080] =	vst v63  }
0xba: {  	s19 =	simm.s32 $0xB880  }
0xbb: {  	[hbm4b:s6+s2] =	stream.indirect_vreg.scatter [tilespmem:s19], [sflag:$0x1], $0x80, v3, vm0, $0xb8;
	[tilespmem:$0x10080] =	vst v63  }
0xbc: {  	v3 =	vld [tilespmem:$0x30];
	_ =	sdelay $0x4  }
0xbd: {  	v63 =	vshll.u32 v3, $0x3  }
0xbe: {  	v3 =	vand.u32 $0x7, v3;
	v4 =	vand.u32 $0xFFFFFFC0, v63  }
0xbf: {  	v3 =	vor.u32 v3, v4  }
0xc0: {  	v4 =	vperm.xlane v3, v0;
	_ =	sdelay $0x1  }
0xc1: {  	v4 =	vadd.s32 v1, v4;
	_ =	sdelay $0x3  }
0xc2: {  	s1 =	simm.s32 $0xC080  }
0xc3: {  	[hbm4b:s3+s2] =	stream.indirect_vreg.scatter [tilespmem:s1], [sflag:$0x1], $0x80, v4, vm0, $0xb8;
	[tilespmem:$0x10080] =	vst v63  }
0xc4: {  	s19 =	simm.s32 $0xC880;
	v3 =	vperm.xlane v3, v2  }
0xc5: {  	[hbm4b:s4+s2] =	stream.indirect_vreg.scatter [tilespmem:s19], [sflag:$0x1], $0x80, v4, vm0, $0xb8;
	[tilespmem:$0x10080] =	vst v63  }
0xc6: {  	v3 =	vadd.s32 v1, v3;
	s1 =	simm.s32 $0xD080  }
0xc7: {  	[hbm4b:s5+s2] =	stream.indirect_vreg.scatter [tilespmem:s1], [sflag:$0x1], $0x80, v4, vm0, $0xb8;
	[tilespmem:$0x10080] =	vst v63  }
0xc8: {  	s19 =	simm.s32 $0xD880  }
0xc9: {  	[hbm4b:s6+s2] =	stream.indirect_vreg.scatter [tilespmem:s19], [sflag:$0x1], $0x80, v4, vm0, $0xb8;
	[tilespmem:$0x10080] =	vst v63  }
0xca: {  	s1 =	simm.s32 $0xE080  }
0xcb: {  	[hbm4b:s3+s2] =	stream.indirect_vreg.scatter [tilespmem:s1], [sflag:$0x1], $0x80, v3, vm0, $0xb8;
	[tilespmem:$0x10080] =	vst v63  }
0xcc: {  	s19 =	simm.s32 $0xE880  }
0xcd: {  	[hbm4b:s4+s2] =	stream.indirect_vreg.scatter [tilespmem:s19], [sflag:$0x1], $0x80, v3, vm0, $0xb8;
	[tilespmem:$0x10080] =	vst v63  }
0xce: {  	p0 =	sne.s32 s7, $0x1;
	s1 =	simm.s32 $0xF080  }
0xcf: {  	[hbm4b:s5+s2] =	stream.indirect_vreg.scatter [tilespmem:s1], [sflag:$0x1], $0x80, v3, vm0, $0xb8;
	[tilespmem:$0x10080] =	vst v63  }
.Ltmp0:
0xd0: {  	s19 =	simm.s32 $0xF880;
	(pc) =	sbr.rel @p0 .LBB2_1-.Ltmp0, $4  }
0xd1: {  	[hbm4b:s6+s2] =	stream.indirect_vreg.scatter [tilespmem:s19], [sflag:$0x1], $0x80, v3, vm0, $0xb8;
	[tilespmem:$0x10080] =	vst v63  }
0xd2: {  	_ =	swait.ge [sflag:s18], $0x10000  }
0xd3: {  	[sflag:s18] =	ssyncset.done $0x0  }
0xd4: {  	s7 =	sadd.s32 $0xFFFFFFFF, s7;
	[sflag:s18] =	ssyncadd.s32 $0xFFFF0000  }
0xd5: {  	_ =	sfence.sel $0x180000  }
0xd6: {  	[bflag:$0x0] =	sbarrier.arrive $0xFFFF  }
0xd7: {  	_ =	strace $0x90000047  }
0xd8: {  	s0 =	stileid.u32;
	[bflag:$0x2] =	sbarrier.arrive $0xFFFF  }
0xd9: {  	p0 =	sne.s32 s0, $0x0;
	s0 =	rddreg [dreg:$0x2]  }
0xda: {  	s0 =	sadd.s32 @!p0 $0x100000, s0  }
0xdb: {  	[sflag:s0] =	ssyncadd.tile.s32 @!p0 $0x1;
	_ =	shalt  }
.Lfunc_end2:
_tile_overlayer_lowered:
.L_overlay_start_2:
0xdc: {  	(tag) =	ssettag $0x2  }
0xdd: {  	s0 =	rddreg [dreg:$0x0];
	s2 =	stileid.u32  }
0xde: {  	s1 =	rddreg [dreg:$0x1];
	p0 =	sne.s32 s2, $0x0  }
0xdf: {  	s3 =	rddreg [dreg:$0x2];
	[bflag:$0x3] =	sbarrier.arrive $0xFFFF;
	s2 =	simm.s32 @!p0 $0x1C02  }
0xe0: {  	[timem:s3], [sflag:s2] =	dma.local @!p0 [hbm:s0], s1  }
0xe1: {  	s0 =	simm.s32 @!p0 $0x2  }
0xe2: {  	_ =	swait.ge @!p0 [sflag:s0], s1  }
0xe3: {  	s1 =	ssub.s32 @!p0 $0x0, s1;
	[sflag:s0] =	ssyncset.done @!p0 $0x0  }
0xe4: {  	[sflag:s0] =	ssyncadd.s32 @!p0 s1  }
0xe5: {  	[bflag:$0x3] =	sbarrier.arrive $0xFFFF  }
0xe6: {  	_ =	shalt  }

// kernel: kernel.9.cloned.1.call-start
scs
__scs_entry_jumppad:
0x0: {  	(pc) =	sbr.rel $0x88, $3  }
0x1: {  	(tag) =	ssettag $0x0;
	lr =	simm.s32 $0x1  }
0x2: {  	[smem:$0x3F9B] =	sst lr;
	_ =	strace $0xD0000000  }
0x3: {  	_ = 	snop  }
0x4: {  	_ = 	snop  }
0x5: {  	_ = 	snop  }
0x6: {  	_ = 	snop  }
0x7: {  	_ = 	snop  }
__scs_overlays_trampoline_lowered:
0x8: {  	[smem:$0x3FAA] =	sst s0  }
0x9: {  	[smem:$0x3FAB] =	sst s1  }
0xa: {  	[smem:$0x3FAC] =	sst s2  }
0xb: {  	[smem:$0x3FAD] =	sst s3  }
0xc: {  	[smem:$0x3FAE] =	sst s4  }
0xd: {  	[smem:$0x3FAF] =	sst s5  }
0xe: {  	[smem:$0x3FB0] =	sst s6  }
0xf: {  	[smem:$0x3FB1] =	sst s7  }
0x10: {  	[smem:$0x3FB2] =	sst s8  }
0x11: {  	[smem:$0x3FB3] =	sst s9;
	s0 =	simm.s32 @!p0 $0x0  }
0x12: {  	s1 =	sld [smem:$0x3F99];
	s0 =	simm.s32 @p0 $0x1  }
0x13: {  	[smem:$0x3FB4] =	sst s0;
	s0 =	simm.s32 @!p1 $0x0  }
0x14: {  	s2 =	sld [smem:$0x3F98];
	s0 =	simm.s32 @p1 $0x1  }
0x15: {  	[smem:$0x3FB5] =	sst s0;
	s0 =	simm.s32 @!p2 $0x0  }
0x16: {  	s3 =	sld [smem:$0x3FDB];
	s0 =	simm.s32 @p2 $0x1  }
0x17: {  	s4 =	simm.s32 $0x1BF5;
	[smem:$0x3FB7] =	sst s0  }
0x18: {  	s0 =	sld [smem:$0x3F9A];
	_ =	swait.ge [sflag:s4], $0x0  }
0x19: {  	s7 =	sld [smem:$0x3F9B]  }
0x1a: {  	s8 =	sadd.s32 $0xFFFFE003, lr  }
0x1b: {  	s9 =	sadd.s32 $0xFFFFFEF7, lr;
	s5 =	simm.s32 $0xFFFFFFFF;
	p2 =	slt.u32 s8, $0xFFFFF086  }
0x1c: {  	p1 =	slt.u32 s9, $0xF7A;
	s5 =	simm.s32 @!p2 $0x0  }
0x1d: {  	s5 =	simm.s32 @p1 $0x1;
	p0 =	seq.s32 s7, s2  }
0x1e: {  	s7 =	smul.u32 @!p0 $0xF7A, s2;
	p2 =	seq.s32 @!p0 s5, $0x0  }
0x1f: {  	s9 =	smul.u32 $0xF7A, s1;
	s8 =	simm.s32 @!p0 $0x1BF5;
	p2 =	por !p2, p0  }
0x20: {  	[sflag:s8] =	ssyncset.s32 @!p0 $0xFFFFF086;
	s6 =	sadd.s32 @!p0 s3, s7;
	s7 =	simm.s32 @!p0 $0x108  }
0x21: {  	s3 =	sadd.s32 s3, s9;
	s6 =	sadd.s32 @!p0 $0x88, s6;
	s7 =	simm.s32 @p2 $0x1082  }
0x22: {  	[simem:s7], [sflag:s8] =	dma.local @!p0 [hbm:s6], $0xF7A  }
0x23: {  	s9 =	sor.u32 $0xD0000000, s2;
	s6 =	simm.s32 $0x108;
	_ =	swait.ge @!p0 [sflag:s8], $0x0  }
0x24: {  	s3 =	sadd.s32 $0x88, s3;
	s6 =	simm.s32 @!p1 $0x1082;
	[sflag:s4] =	ssyncset.s32 $0xFFFFF086  }
0x25: {  	[simem:s6], [sflag:s4] =	dma.local [hbm:s3], $0xF7A  }
0x26: {  	[smem:$0x3F9B] =	sst s1;
	(tag) =	ssettag s2;
	_ =	strace s9  }
0x27: {  	s1 =	sld [smem:$0x3FAB]  }
0x28: {  	s2 =	sld [smem:$0x3FAC]  }
0x29: {  	s4 =	sld [smem:$0x3FAE]  }
0x2a: {  	p0 =	seq.s32 s5, $0x0;
	s5 =	sld [smem:$0x3FAF]  }
0x2b: {  	s6 =	sld [smem:$0x3FB0]  }
0x2c: {  	s7 =	sld [smem:$0x3FB1]  }
0x2d: {  	s3 =	simm.s32 $0x108;
	s8 =	sld [smem:$0x3FB2]  }
0x2e: {  	s3 =	simm.s32 @!p0 $0x1082;
	s9 =	sld [smem:$0x3FB3]  }
0x2f: {  	lr =	sadd.s32 s0, s3;
	s0 =	sld [smem:$0x3FAA]  }
0x30: {  	s3 =	sld [smem:$0x3FAD]  }
0x31: {  	[smem:$0x3FB6] =	sst s10  }
0x32: {  	s10 =	sld [smem:$0x3FB4];
	_ =	sdelay $0x3  }
0x33: {  	p0 =	seq.s32 s10, $0x1;
	s10 =	sld [smem:$0x3FB6];
	_ =	sdelay $0x3  }
0x34: {  	[smem:$0x3FB6] =	sst s10  }
0x35: {  	s10 =	sld [smem:$0x3FB5];
	_ =	sdelay $0x3  }
0x36: {  	p1 =	seq.s32 s10, $0x1;
	s10 =	sld [smem:$0x3FB6];
	_ =	sdelay $0x3  }
0x37: {  	[smem:$0x3FB6] =	sst s10  }
0x38: {  	s10 =	sld [smem:$0x3FB7]  }
0x39: {  	_ = 	snop;
	(pc) =	sbr.ind lr, $3  }
0x3a: {  	_ = 	snop  }
0x3b: {  	_ = 	snop  }
0x3c: {  	p2 =	seq.s32 s10, $0x1;
	s10 =	sld [smem:$0x3FB6]  }
0x3d: {  	_ =	shalt  }
0x3e: {  	_ =	shalt  }
0x3f: {  	_ =	shalt  }
0x40: {  	_ =	shalt  }
0x41: {  	_ =	shalt  }
0x42: {  	_ =	shalt  }
0x43: {  	_ =	shalt  }
0x44: {  	_ =	shalt  }
0x45: {  	_ =	shalt  }
0x46: {  	_ =	shalt  }
0x47: {  	_ =	shalt  }
0x48: {  	_ =	shalt  }
0x49: {  	_ =	shalt  }
0x4a: {  	_ =	shalt  }
0x4b: {  	_ =	shalt  }
0x4c: {  	_ =	shalt  }
0x4d: {  	_ =	shalt  }
0x4e: {  	_ =	shalt  }
0x4f: {  	_ =	shalt  }
0x50: {  	_ =	shalt  }
0x51: {  	_ =	shalt  }
0x52: {  	_ =	shalt  }
0x53: {  	_ =	shalt  }
0x54: {  	_ =	shalt  }
0x55: {  	_ =	shalt  }
0x56: {  	_ =	shalt  }
0x57: {  	_ =	shalt  }
0x58: {  	_ =	shalt  }
0x59: {  	_ =	shalt  }
0x5a: {  	_ =	shalt  }
0x5b: {  	_ =	shalt  }
0x5c: {  	_ =	shalt  }
0x5d: {  	_ =	shalt  }
0x5e: {  	_ =	shalt  }
0x5f: {  	_ =	shalt  }
0x60: {  	_ =	shalt  }
0x61: {  	_ =	shalt  }
0x62: {  	_ =	shalt  }
0x63: {  	_ =	shalt  }
0x64: {  	_ =	shalt  }
0x65: {  	_ =	shalt  }
0x66: {  	_ =	shalt  }
0x67: {  	_ =	shalt  }
0x68: {  	_ =	shalt  }
0x69: {  	_ =	shalt  }
0x6a: {  	_ =	shalt  }
0x6b: {  	_ =	shalt  }
0x6c: {  	_ =	shalt  }
0x6d: {  	_ =	shalt  }
0x6e: {  	_ =	shalt  }
0x6f: {  	_ =	shalt  }
0x70: {  	_ =	shalt  }
0x71: {  	_ =	shalt  }
0x72: {  	_ =	shalt  }
0x73: {  	_ =	shalt  }
0x74: {  	_ =	shalt  }
0x75: {  	_ =	shalt  }
0x76: {  	_ =	shalt  }
0x77: {  	_ =	shalt  }
0x78: {  	_ =	shalt  }
0x79: {  	_ =	shalt  }
0x7a: {  	_ =	shalt  }
0x7b: {  	_ =	shalt  }
0x7c: {  	_ =	shalt  }
0x7d: {  	_ =	shalt  }
0x7e: {  	_ =	shalt  }
0x7f: {  	_ =	shalt  }
0x80: {  	_ =	shalt  }
0x81: {  	_ =	shalt  }
0x82: {  	_ =	shalt  }
0x83: {  	_ =	shalt  }
0x84: {  	_ =	shalt  }
0x85: {  	_ =	shalt  }
0x86: {  	_ =	shalt  }
0x87: {  	_ =	shalt  }
.Lfunc_end0:
.L_simem_size_0:
called_computation.1_lowered:
.L_overlay_start_0:
0x88: {  	s2 =	sld [smem:$0x3FD9]  }
0x89: {  	s3 =	sld [smem:$0x3FFE];
	_ =	sdelay $0x1  }
0x8a: {  	s1 =	srdreg.scid  }
0x8b: {  	s0 =	sand.u32 $0x1, s1  }
0x8c: {  	s17 =	sshll.u32 s0, $0xA;
	s2 =	sadd.s32 s3, s2  }
0x8d: {  	s2 =	sadd.s32 s2, s17  }
0x8e: {  	[smem:$0x3FC2] =	sst s2  }
0x8f: {  	_ = 	snop  }
0x90: {  	s2 =	sld [smem:$0x3FD0];
	(tm) =	ssettm $0x1  }
0x91: {  	s18 =	sld [smem:$0x3FFB];
	_ =	sdelay $0x3  }
0x92: {  	_ =	strace s18  }
0x93: {  	s3 =	sld [smem:$0x3FFC];
	_ =	sdelay $0x3  }
0x94: {  	_ =	strace s3  }
0x95: {  	s3 =	sld [smem:$0x3FFD];
	_ =	sdelay $0x3  }
0x96: {  	_ =	strace s3  }
0x97: {  	_ =	strace $0x8FFFFFFF  }
0x98: {  	s19 =	sld [smem:$0x3FDB];
	_ =	sdelay $0x1  }
0x99: {  	s4 =	simm.s32 $_scs_section_size  }
0x9a: {  	s5 =	simm.s32 $_size__tile_overlayer_lowered;
	s6 =	simm.s32 $_tile_overlayer_lowered  }
0x9b: {  	s22 =	simm.s32 $0x1BFF;
	s21 =	sshll.u32 s6, $0x1;
	s3 =	sadd.s32 s4, s19  }
0x9c: {  	s7 =	simm.s32 $0x0;
	s20 =	sshll.u32 s5, $0x1;
	s5 =	sadd.s32 s21, s3  }
0x9d: {  	[timem:s7], [sflag:s22] =	dma.local [hbm:s5], s20  }
0x9e: {  	_ =	swait.ge [sflag:s22], s20  }
0x9f: {  	s4 =	ssub.s32 $0x0, s20;
	[sflag:s22] =	ssyncset.done $0x0  }
0xa0: {  	[sflag:s22] =	ssyncadd.s32 s4;
	_ =	sdelay $0x1  }
0xa1: {  	s23 =	simm.s32 $0x1B8B  }
0xa2: {  	_ =	swait.ge [sflag:s23], $0x1  }
0xa3: {  	[sflag:s23] =	ssyncset.done $0x0  }
0xa4: {  	s25 =	simm.s32 $0x1B8E;
	s24 =	sld [smem:$0x3FFE];
	[sflag:s23] =	ssyncadd.s32 $0xFFFFFFFF  }
0xa5: {  	s26 =	simm.s32 $execute0_lowered;
	[smem:$0x3FD2] =	sst s25  }
0xa6: {  	s5 =	sshll.u32 s26, $0x1;
	_ =	strace $0x80000049;
	[dreg:$0x1] =	wrdreg $0xFFFFFFFF  }
0xa7: {  	s28 =	simm.s32 $_size_execute0_lowered;
	s3 =	sadd.s32 s3, s5;
	[dreg:$0x0] =	wrdreg $0x0  }
0xa8: {  	s5 =	sshll.u32 s28, $0x1;
	[dreg:$0x2] =	wrdreg s3  }
0xa9: {  	[dreg:$0x3] =	wrdreg s5  }
0xaa: {  	[dreg:$0x4] =	wrdreg $0xC0  }
0xab: {  	_ =	task [dreg:s7], $0x5FFFF  }
0xac: {  	[dreg:$0x1] =	wrdreg $0xFFFFFFFF  }
0xad: {  	[dreg:$0x0] =	wrdreg $0x60  }
0xae: {  	[dreg:$0x2] =	wrdreg s24  }
0xaf: {  	[dreg:$0x3] =	wrdreg s2  }
0xb0: {  	[dreg:$0x4] =	wrdreg $0x9  }
0xb1: {  	_ =	task.clear_ibuf [dreg:s7], $0x5FFFF;
	_ =	strace $0x90000049  }
0xb2: {  	s29 =	simm.s32 $0x9;
	_ =	strace $0x8000004B  }
0xb3: {  	_ =	swait.ge [sflag:s29], $0x1  }
0xb4: {  	[sflag:s29] =	ssyncadd.s32 $0xFFFFFFFF  }
0xb5: {  	_ =	strace $0x9000004B  }
0xb6: {  	_ =	sfence  }
0xb7: {  	s30 =	sld [smem:$0x0];
	_ =	sdelay $0x2  }
0xb8: {  	s31 =	sshll.u32 s1, $0xD;
	s1 =	sshrl.u32 s1, $0x2  }
0xb9: {  	s3 =	sand.u32 $0x4000, s31;
	s1 =	sadd.s32 s1, s30  }
0xba: {  	s0 =	sor.u32 s3, s0;
	s1 =	sshll.u32 s1, $0x11  }
0xbb: {  	s0 =	sor.u32 s1, s0  }
0xbc: {  	s0 =	sadd.s32 $0x8F2B, s0  }
0xbd: {  	[sflag:s0] =	ssyncadd.remote.s32 $0x1  }
0xbe: {  	_ =	sfence.sel $0xFFFF  }
0xbf: {  	[dreg:$0x0] =	wrdreg $0xFFFFFFFF;
	(pc) =	sbr.abs _section_cstart, $3  }
0xc0: {  	[dreg:$0x1] =	wrdreg $0xFFFFFFFF  }
0xc1: {  	_ =	task.clear_ibuf [dreg:s7], $0x2FFFF;
	_ =	strace $0x9FFFFFFF  }
0xc2: {  	(tm) =	ssettm $0x7FFFFFFF  }
0xc3: {  	_ =	shalt  }
tec
execute0_lowered:
.L_overlay_start_1:
0x0: {  	(tag) =	ssettag $0x1  }
0x1: {  	s0 =	rddreg [dreg:$0x0]  }
0x2: {  	s2 =	rddreg [dreg:$0x1];
	s1 =	simm.s32 $0x0  }
0x3: {  	s5 =	srdreg.scid;
	s8 =	stileid.u32;
	s14 =	simm.s32 $0xA900  }
0x4: {  	s15 =	simm.s32 $0xB100;
	s16 =	simm.s32 $0xC100;
	s17 =	simm.s32 $0xD100  }
0x5: {  	s28 =	simm.s32 $0xE900;
	s29 =	simm.s32 $0xF100;
	s30 =	simm.s32 $0xF900  }
0x6: {  	s31 =	simm.s32 $0x1;
	[smem:$0x7FF] =	sst s1;
	s3 =	sadd.s32 $0x490C00, s0  }
0x7: {  	s4 =	sadd.s32 $0x10200, s0;
	s6 =	sadd.s32 $0x10000, s0;
	s5 =	sand.u32 $0x1, s5  }
0x8: {  	s8 =	sshll.u32 s8, $0x7;
	s7 =	ssub.s32 $0x2, s5;
	s5 =	sshll.u32 s5, $0x6  }
0x9: {  	s11 =	sadd.s32 $0x8000, s0;
	s9 =	sshrl.u32 s7, $0x1;
	s5 =	sor.u32 s5, s8  }
0xa: {  	_ =	strace $0x8000004A;
	s7 =	ssub.s32 s7, s9;
	s8 =	sshrl.u32 s5, $0x3  }
0xb: {  	s18 =	sshll.u32 s5, $0x4;
	s12 =	sor.u32 $0x20, s5;
	s9 =	sadd.s32 $0x490E00, s0  }
0xc: {  	s5 =	sshll.u32 s5, $0x7;
	s10 =	sadd.s32 s4, s8;
	s8 =	sadd.s32 s6, s8  }
0xd: {  	s19 =	sadd.s32 s0, s18;
	s20 =	sadd.s32 s11, s18;
	[dreg:$0x3] =	wrdreg s10  }
0xe: {  	s13 =	sshrl.u32 s12, $0x3;
	s5 =	sadd.s32 s2, s5;
	[dreg:$0x4] =	wrdreg s8  }
0xf: {  	s22 =	sshll.u32 s12, $0x4;
	s23 =	sshll.u32 s12, $0x7;
	[dreg:$0x5] =	wrdreg s19  }
0x10: {  	s26 =	smax.u32 s7, $0x1;
	s18 =	simm.s32 $0x2;
	[dreg:$0x6] =	wrdreg s20  }
0x11: {  	s8 =	sadd.s32 $0x490D00, s0;
	s10 =	sadd.s32 $0x490F00, s0;
	[dreg:$0x7] =	wrdreg s5  }
0x12: {  	s4 =	sadd.s32 s4, s13;
	s21 =	sadd.s32 s6, s13;
	[dreg:$0xd] =	wrdreg s26  }
0x13: {  	s0 =	sadd.s32 s0, s22;
	s24 =	sadd.s32 s11, s22;
	[dreg:$0x8] =	wrdreg s4  }
0x14: {  	s25 =	sadd.s32 s2, s23;
	s13 =	simm.s32 $0x80;
	[dreg:$0x9] =	wrdreg s21  }
0x15: {  	s22 =	simm.s32 $0x100;
	s19 =	simm.s32 $0x9100;
	[dreg:$0xa] =	wrdreg s0  }
0x16: {  	v2 =	vlaneseq.u32;
	s20 =	simm.s32 $0x9900;
	s23 =	simm.s32 $0xB900;
	[dreg:$0xb] =	wrdreg s24  }
0x17: {  	vm0 =	vmmov $0xffff;
	v1 =	vshrl.u32 v2, $0x3;
	s26 =	simm.s32 $0xE100;
	[dreg:$0xc] =	wrdreg s25;
	s21 =	simm.s32 $0xA100  }
0x18: {  	v0 =	vand.u32 $0x7, v2;
	v2 =	vor.u32 $0x8, v2;
	v1 =	vmul.u32 $0x8, v1;
	s24 =	simm.s32 $0xC900;
	s25 =	simm.s32 $0xD900;
	s0 =	simm.s32 $0x0  }
.LBB2_1:
0x19: {  	s2 =	rddreg [dreg:$0x3]  }
0x1a: {  	[tilespmem:s1], [sflag:$0x2] =	stream.linear.gather [hbm4b:s2+s1], $0x20, $0x38;
	[tilespmem:$0x12100] =	vst v63  }
0x1b: {  	_ =	swait.ge [sflag:s18], $0x20  }
0x1c: {  	[sflag:s18] =	ssyncset.done $0x0  }
0x1d: {  	s6 =	rddreg [dreg:$0x4];
	[sflag:s18] =	ssyncadd.s32 $0xFFFFFFE0  }
0x1e: {  	[tilespmem:s13], [sflag:$0x2] =	stream.linear.gather [hbm4b:s6+s1], $0x20, $0x38;
	[tilespmem:$0x12100] =	vst v63  }
0x1f: {  	_ =	swait.ge [sflag:s18], $0x20  }
0x20: {  	[sflag:s18] =	ssyncset.done $0x0  }
0x21: {  	s4 =	simm.s32 $0x10100;
	s7 =	rddreg [dreg:$0x5];
	[sflag:s18] =	ssyncadd.s32 $0xFFFFFFE0  }
0x22: {  	[tilespmem:s4], [sflag:$0x2] =	stream.linear.gather [hbm4b:s7+s1], $0x1000, $0x38;
	[tilespmem:$0x12100] =	vst v63  }
0x23: {  	_ =	swait.ge [sflag:s18], $0x1000  }
0x24: {  	[sflag:s18] =	ssyncset.done $0x0  }
0x25: {  	s12 =	simm.s32 $0x11100;
	s11 =	rddreg [dreg:$0x6];
	[sflag:s18] =	ssyncadd.s32 $0xFFFFF000  }
0x26: {  	[tilespmem:s12], [sflag:$0x2] =	stream.linear.gather [hbm4b:s11+s1], $0x1000, $0x38;
	[tilespmem:$0x12100] =	vst v63  }
0x27: {  	_ =	swait.ge [sflag:s18], $0x1000  }
0x28: {  	[sflag:s18] =	ssyncset.done $0x0  }
0x29: {  	[sflag:s18] =	ssyncadd.s32 $0xFFFFF000  }
0x2a: {  	v3 =	vld [tilespmem:$0x0];
	_ =	sdelay $0x4  }
0x2b: {  	v4 =	vshll.u32 v3, $0x3  }
0x2c: {  	v3 =	vand.u32 $0x7, v3;
	v4 =	vand.u32 $0xFFFFFFC0, v4  }
0x2d: {  	v3 =	vor.u32 v3, v4  }
0x2e: {  	v4 =	vperm.xlane v3, v0;
	_ =	sdelay $0x1  }
0x2f: {  	v4 =	vadd.s32 v1, v4;
	_ =	sdelay $0x4  }
0x30: {  	[tilespmem:s22], [sflag:$0x1] =	stream.indirect_vreg.gather [hbm4b:s3+s1], $0x80, v4, vm0, $0xb8;
	[tilespmem:$0x12100] =	vst v63  }
0x31: {  	s5 =	simm.s32 $0x900;
	v3 =	vperm.xlane v3, v2  }
0x32: {  	[tilespmem:s5], [sflag:$0x1] =	stream.indirect_vreg.gather [hbm4b:s8+s1], $0x80, v4, vm0, $0xb8;
	[tilespmem:$0x12100] =	vst v63  }
0x33: {  	s6 =	simm.s32 $0x1100;
	v3 =	vadd.s32 v1, v3  }
0x34: {  	[tilespmem:s6], [sflag:$0x1] =	stream.indirect_vreg.gather [hbm4b:s9+s1], $0x80, v4, vm0, $0xb8;
	[tilespmem:$0x12100] =	vst v63  }
0x35: {  	s7 =	simm.s32 $0x1900  }
0x36: {  	[tilespmem:s7], [sflag:$0x1] =	stream.indirect_vreg.gather [hbm4b:s10+s1], $0x80, v4, vm0, $0xb8;
	[tilespmem:$0x12100] =	vst v63  }
0x37: {  	s11 =	simm.s32 $0x2100  }
0x38: {  	[tilespmem:s11], [sflag:$0x1] =	stream.indirect_vreg.gather [hbm4b:s3+s1], $0x80, v3, vm0, $0xb8;
	[tilespmem:$0x12100] =	vst v63  }
0x39: {  	s12 =	simm.s32 $0x2900  }
0x3a: {  	[tilespmem:s12], [sflag:$0x1] =	stream.indirect_vreg.gather [hbm4b:s8+s1], $0x80, v3, vm0, $0xb8;
	[tilespmem:$0x12100] =	vst v63  }
0x3b: {  	s4 =	simm.s32 $0x3100  }
0x3c: {  	[tilespmem:s4], [sflag:$0x1] =	stream.indirect_vreg.gather [hbm4b:s9+s1], $0x80, v3, vm0, $0xb8;
	[tilespmem:$0x12100] =	vst v63  }
0x3d: {  	s5 =	simm.s32 $0x3900  }
0x3e: {  	[tilespmem:s5], [sflag:$0x1] =	stream.indirect_vreg.gather [hbm4b:s10+s1], $0x80, v3, vm0, $0xb8;
	[tilespmem:$0x12100] =	vst v63  }
0x3f: {  	v3 =	vld [tilespmem:$0x10];
	_ =	sdelay $0x4  }
0x40: {  	v61 =	vshll.u32 v3, $0x3  }
0x41: {  	v3 =	vand.u32 $0x7, v3;
	v4 =	vand.u32 $0xFFFFFFC0, v61  }
0x42: {  	v3 =	vor.u32 v3, v4  }
0x43: {  	v4 =	vperm.xlane v3, v0;
	_ =	sdelay $0x1  }
0x44: {  	v4 =	vadd.s32 v1, v4;
	_ =	sdelay $0x3  }
0x45: {  	s6 =	simm.s32 $0x4100  }
0x46: {  	[tilespmem:s6], [sflag:$0x1] =	stream.indirect_vreg.gather [hbm4b:s3+s1], $0x80, v4, vm0, $0xb8;
	[tilespmem:$0x12100] =	vst v63  }
0x47: {  	s7 =	simm.s32 $0x4900;
	v3 =	vperm.xlane v3, v2  }
0x48: {  	[tilespmem:s7], [sflag:$0x1] =	stream.indirect_vreg.gather [hbm4b:s8+s1], $0x80, v4, vm0, $0xb8;
	[tilespmem:$0x12100] =	vst v63  }
0x49: {  	s11 =	simm.s32 $0x5100;
	v3 =	vadd.s32 v1, v3  }
0x4a: {  	[tilespmem:s11], [sflag:$0x1] =	stream.indirect_vreg.gather [hbm4b:s9+s1], $0x80, v4, vm0, $0xb8;
	[tilespmem:$0x12100] =	vst v63  }
0x4b: {  	s12 =	simm.s32 $0x5900  }
0x4c: {  	[tilespmem:s12], [sflag:$0x1] =	stream.indirect_vreg.gather [hbm4b:s10+s1], $0x80, v4, vm0, $0xb8;
	[tilespmem:$0x12100] =	vst v63  }
0x4d: {  	s4 =	simm.s32 $0x6100  }
0x4e: {  	[tilespmem:s4], [sflag:$0x1] =	stream.indirect_vreg.gather [hbm4b:s3+s1], $0x80, v3, vm0, $0xb8;
	[tilespmem:$0x12100] =	vst v63  }
0x4f: {  	s5 =	simm.s32 $0x6900  }
0x50: {  	[tilespmem:s5], [sflag:$0x1] =	stream.indirect_vreg.gather [hbm4b:s8+s1], $0x80, v3, vm0, $0xb8;
	[tilespmem:$0x12100] =	vst v63  }
0x51: {  	s6 =	simm.s32 $0x7100  }
0x52: {  	[tilespmem:s6], [sflag:$0x1] =	stream.indirect_vreg.gather [hbm4b:s9+s1], $0x80, v3, vm0, $0xb8;
	[tilespmem:$0x12100] =	vst v63  }
0x53: {  	s7 =	simm.s32 $0x7900  }
0x54: {  	[tilespmem:s7], [sflag:$0x1] =	stream.indirect_vreg.gather [hbm4b:s10+s1], $0x80, v3, vm0, $0xb8;
	[tilespmem:$0x12100] =	vst v63  }
0x55: {  	v3 =	vld [tilespmem:$0x80];
	_ =	sdelay $0x4  }
0x56: {  	v62 =	vshll.u32 v3, $0x3  }
0x57: {  	v3 =	vand.u32 $0x7, v3;
	v4 =	vand.u32 $0xFFFFFFC0, v62  }
0x58: {  	v3 =	vor.u32 v3, v4  }
0x59: {  	v4 =	vperm.xlane v3, v0;
	_ =	sdelay $0x1  }
0x5a: {  	v4 =	vadd.s32 v1, v4;
	_ =	sdelay $0x3  }
0x5b: {  	s11 =	simm.s32 $0x8100  }
0x5c: {  	[tilespmem:s11], [sflag:$0x1] =	stream.indirect_vreg.gather [hbm4b:s3+s1], $0x80, v4, vm0, $0xb8;
	[tilespmem:$0x12100] =	vst v63  }
0x5d: {  	s12 =	simm.s32 $0x8900;
	v3 =	vperm.xlane v3, v2  }
0x5e: {  	[tilespmem:s12], [sflag:$0x1] =	stream.indirect_vreg.gather [hbm4b:s8+s1], $0x80, v4, vm0, $0xb8;
	[tilespmem:$0x12100] =	vst v63  }
0x5f: {  	v3 =	vadd.s32 v1, v3  }
0x60: {  	[tilespmem:s19], [sflag:$0x1] =	stream.indirect_vreg.gather [hbm4b:s9+s1], $0x80, v4, vm0, $0xb8;
	[tilespmem:$0x12100] =	vst v63  }
0x61: {  	_ = 	snop  }
0x62: {  	[tilespmem:s20], [sflag:$0x1] =	stream.indirect_vreg.gather [hbm4b:s10+s1], $0x80, v4, vm0, $0xb8;
	[tilespmem:$0x12100] =	vst v63  }
0x63: {  	_ = 	snop  }
0x64: {  	[tilespmem:s21], [sflag:$0x1] =	stream.indirect_vreg.gather [hbm4b:s3+s1], $0x80, v3, vm0, $0xb8;
	[tilespmem:$0x12100] =	vst v63  }
0x65: {  	_ = 	snop  }
0x66: {  	[tilespmem:s14], [sflag:$0x1] =	stream.indirect_vreg.gather [hbm4b:s8+s1], $0x80, v3, vm0, $0xb8;
	[tilespmem:$0x12100] =	vst v63  }
0x67: {  	_ = 	snop  }
0x68: {  	[tilespmem:s15], [sflag:$0x1] =	stream.indirect_vreg.gather [hbm4b:s9+s1], $0x80, v3, vm0, $0xb8;
	[tilespmem:$0x12100] =	vst v63  }
0x69: {  	_ = 	snop  }
0x6a: {  	[tilespmem:s23], [sflag:$0x1] =	stream.indirect_vreg.gather [hbm4b:s10+s1], $0x80, v3, vm0, $0xb8;
	[tilespmem:$0x12100] =	vst v63  }
0x6b: {  	v3 =	vld [tilespmem:$0x90];
	_ =	sdelay $0x4  }
0x6c: {  	v63 =	vshll.u32 v3, $0x3  }
0x6d: {  	v3 =	vand.u32 $0x7, v3;
	v4 =	vand.u32 $0xFFFFFFC0, v63  }
0x6e: {  	v3 =	vor.u32 v3, v4  }
0x6f: {  	v4 =	vperm.xlane v3, v0;
	_ =	sdelay $0x1  }
0x70: {  	v4 =	vadd.s32 v1, v4;
	_ =	sdelay $0x4  }
0x71: {  	[tilespmem:s16], [sflag:$0x1] =	stream.indirect_vreg.gather [hbm4b:s3+s1], $0x80, v4, vm0, $0xb8;
	[tilespmem:$0x12100] =	vst v63  }
0x72: {  	v3 =	vperm.xlane v3, v2  }
0x73: {  	[tilespmem:s24], [sflag:$0x1] =	stream.indirect_vreg.gather [hbm4b:s8+s1], $0x80, v4, vm0, $0xb8;
	[tilespmem:$0x12100] =	vst v63  }
0x74: {  	v3 =	vadd.s32 v1, v3  }
0x75: {  	[tilespmem:s17], [sflag:$0x1] =	stream.indirect_vreg.gather [hbm4b:s9+s1], $0x80, v4, vm0, $0xb8;
	[tilespmem:$0x12100] =	vst v63  }
0x76: {  	_ = 	snop  }
0x77: {  	[tilespmem:s25], [sflag:$0x1] =	stream.indirect_vreg.gather [hbm4b:s10+s1], $0x80, v4, vm0, $0xb8;
	[tilespmem:$0x12100] =	vst v63  }
0x78: {  	_ = 	snop  }
0x79: {  	[tilespmem:s26], [sflag:$0x1] =	stream.indirect_vreg.gather [hbm4b:s3+s1], $0x80, v3, vm0, $0xb8;
	[tilespmem:$0x12100] =	vst v63  }
0x7a: {  	_ = 	snop  }
0x7b: {  	[tilespmem:s28], [sflag:$0x1] =	stream.indirect_vreg.gather [hbm4b:s8+s1], $0x80, v3, vm0, $0xb8;
	[tilespmem:$0x12100] =	vst v63  }
0x7c: {  	_ = 	snop  }
0x7d: {  	[tilespmem:s29], [sflag:$0x1] =	stream.indirect_vreg.gather [hbm4b:s9+s1], $0x80, v3, vm0, $0xb8;
	[tilespmem:$0x12100] =	vst v63  }
0x7e: {  	_ = 	snop  }
0x7f: {  	[tilespmem:s30], [sflag:$0x1] =	stream.indirect_vreg.gather [hbm4b:s10+s1], $0x80, v3, vm0, $0xb8;
	[tilespmem:$0x12100] =	vst v63  }
0x80: {  	_ =	swait.ge [sflag:s31], $0x8000  }
0x81: {  	[sflag:s31] =	ssyncset.done $0x0  }
0x82: {  	[sflag:s31] =	ssyncadd.s32 $0xFFFF8000  }
0x83: {  	_ =	swait.ge [sflag:s31], $0x8000  }
0x84: {  	[sflag:s31] =	ssyncset.done $0x0  }
0x85: {  	s2 =	simm.s32 $0x0;
	[sflag:s31] =	ssyncadd.s32 $0xFFFF8000  }
.LBB2_2:
0x86: {  	s5 =	sshll.u32 s2, $0x7;
	s4 =	sshll.u32 s2, $0xA  }
0x87: {  	s7 =	simm.s32 $0x0;
	s4 =	sand.u32 $0x6000, s4;
	s6 =	sand.u32 $0x380, s5  }
0x88: {  	s11 =	sand.u32 $0x40, s7;
	s4 =	sor.u32 s4, s6  }
0x89: {  	v3 =	vld [tilespmem:s5+$0x10100];
	s7 =	sand.u32 $0x1C00, s7;
	s6 =	sor.u32 s11, s4  }
0x8a: {  	v4 =	vld [tilespmem:s5+$0x11100];
	s5 =	sor.u32 s7, s6  }
0x8b: {  	v5 =	vld [tilespmem:s5+$0x8100]  }
0x8c: {  	v7 =	vld [tilespmem:s5+$0x8110]  }
0x8d: {  	v8 =	vld [tilespmem:s5+$0x8120]  }
0x8e: {  	v6 =	vld [tilespmem:s5+$0x100]  }
0x8f: {  	v9 =	vld [tilespmem:s5+$0x8130]  }
0x90: {  	v10 =	vld [tilespmem:s5+$0x110]  }
0x91: {  	s12 =	simm.s32 $0x40;
	v11 =	vld [tilespmem:s5+$0x120]  }
0x92: {  	s6 =	sand.u32 $0x40, s12;
	s7 =	simm.s32 $0x200;
	v12 =	vld [tilespmem:s5+$0x130]  }
0x93: {  	s11 =	sand.u32 $0x1C00, s7;
	s6 =	sor.u32 s6, s4  }
0x94: {  	s6 =	sor.u32 s11, s6;
	v13 =	vmul.f32 v6, v3;
	v14 =	vmul.f32 v5, v4  }
0x95: {  	v6 =	vld [tilespmem:s6+$0x8100];
	v10 =	vmul.f32 v10, v3;
	v15 =	vmul.f32 v7, v4  }
0x96: {  	v5 =	vld [tilespmem:s6+$0x8110];
	v11 =	vmul.f32 v11, v3;
	v63 =	vmul.f32 v8, v4;
	v13 =	vadd.f32 v14, v13  }
0x97: {  	v7 =	vld [tilespmem:s6+$0x8120];
	v12 =	vmul.f32 v12, v3;
	v16 =	vmul.f32 v9, v4;
	v15 =	vadd.f32 v15, v10  }
0x98: {  	v8 =	vld [tilespmem:s6+$0x8130];
	v10 =	vadd.f32 v63, v11;
	[tilespmem:s5+$0x100] =	vst v13  }
0x99: {  	s11 =	simm.s32 $0x80;
	v11 =	vadd.f32 v16, v12;
	v9 =	vld [tilespmem:s6+$0x100];
	[tilespmem:s5+$0x110] =	vst v15  }
.LBB2_3:
0x9a: {  	p0 =	sne.s32 s11, $0x3C0;
	v12 =	vld [tilespmem:s6+$0x110];
	[tilespmem:s5+$0x120] =	vst v10  }
0x9b: {  	v10 =	vld [tilespmem:s6+$0x120];
	[tilespmem:s5+$0x130] =	vst v11;
	s5 =	smov.u32 s6  }
0x9c: {  	s7 =	sadd.s32 $0x200, s7;
	s6 =	sand.u32 $0x40, s11;
	v11 =	vld [tilespmem:s5+$0x130]  }
0x9d: {  	s12 =	sand.u32 $0x1C00, s7;
	s6 =	sor.u32 s6, s4  }
0x9e: {  	v13 =	vmul.f32 v6, v4;
	s6 =	sor.u32 s12, s6;
	v9 =	vmul.f32 v9, v3  }
.Ltmp0:
0x9f: {  	v14 =	vmul.f32 v5, v4;
	v6 =	vld [tilespmem:s6+$0x8100];
	v12 =	vmul.f32 v12, v3;
	(pc) =	sbr.rel @p0 .LBB2_3-.Ltmp0, $4  }
0xa0: {  	v5 =	vld [tilespmem:s6+$0x8110];
	v9 =	vadd.f32 v13, v9;
	v10 =	vmul.f32 v10, v3;
	v13 =	vmul.f32 v7, v4  }
0xa1: {  	v7 =	vld [tilespmem:s6+$0x8120];
	v12 =	vadd.f32 v14, v12;
	v11 =	vmul.f32 v11, v3;
	v14 =	vmul.f32 v8, v4  }
0xa2: {  	v8 =	vld [tilespmem:s6+$0x8130];
	[tilespmem:s5+$0x100] =	vst v9;
	v10 =	vadd.f32 v13, v10  }
0xa3: {  	s11 =	sadd.s32 $0x40, s11;
	v9 =	vld [tilespmem:s6+$0x100];
	[tilespmem:s5+$0x110] =	vst v12;
	v11 =	vadd.f32 v14, v11  }
0xa4: {  	v12 =	vld [tilespmem:s6+$0x110];
	[tilespmem:s5+$0x120] =	vst v10  }
0xa5: {  	v10 =	vld [tilespmem:s6+$0x120];
	[tilespmem:s5+$0x130] =	vst v11  }
0xa6: {  	v11 =	vld [tilespmem:s6+$0x130];
	_ =	sdelay $0x1  }
0xa7: {  	v6 =	vmul.f32 v6, v4;
	v9 =	vmul.f32 v9, v3  }
0xa8: {  	s2 =	sadd.s32 $0x1, s2;
	v5 =	vmul.f32 v5, v4;
	v12 =	vmul.f32 v12, v3  }
0xa9: {  	p0 =	sne.s32 s2, $0x20;
	v7 =	vmul.f32 v7, v4;
	v6 =	vadd.f32 v6, v9;
	v61 =	vmul.f32 v10, v3  }
.Ltmp1:
0xaa: {  	v62 =	vmul.f32 v8, v4;
	v5 =	vadd.f32 v5, v12;
	v3 =	vmul.f32 v11, v3;
	(pc) =	sbr.rel @p0 .LBB2_2-.Ltmp1, $4  }
0xab: {  	[tilespmem:s6+$0x100] =	vst v6;
	v63 =	vadd.f32 v7, v61  }
0xac: {  	[tilespmem:s6+$0x110] =	vst v5;
	v3 =	vadd.f32 v62, v3  }
0xad: {  	[tilespmem:s6+$0x120] =	vst v63  }
0xae: {  	[tilespmem:s6+$0x130] =	vst v3  }
0xaf: {  	s2 =	simm.s32 $0x0;
	s4 =	rddreg [dreg:$0x7]  }
0xb0: {  	[hbm4b:s4+s2] =	stream.linear.scatter [tilespmem:s22], [sflag:$0x2], $0x8000, $0x38;
	[tilespmem:$0x12100] =	vst v63  }
0xb1: {  	_ =	swait.ge [sflag:s18], $0x8000  }
0xb2: {  	[sflag:s18] =	ssyncset.done $0x0  }
0xb3: {  	s6 =	rddreg [dreg:$0x8];
	[sflag:s18] =	ssyncadd.s32 $0xFFFF8000  }
0xb4: {  	[tilespmem:s2], [sflag:$0x2] =	stream.linear.gather [hbm4b:s6+s2], $0x20, $0x38;
	[tilespmem:$0x12100] =	vst v63  }
0xb5: {  	_ =	swait.ge [sflag:s18], $0x20  }
0xb6: {  	[sflag:s18] =	ssyncset.done $0x0  }
0xb7: {  	s7 =	rddreg [dreg:$0x9];
	[sflag:s18] =	ssyncadd.s32 $0xFFFFFFE0  }
0xb8: {  	[tilespmem:s13], [sflag:$0x2] =	stream.linear.gather [hbm4b:s7+s2], $0x20, $0x38;
	[tilespmem:$0x12100] =	vst v63  }
0xb9: {  	_ =	swait.ge [sflag:s18], $0x20  }
0xba: {  	[sflag:s18] =	ssyncset.done $0x0  }
0xbb: {  	s5 =	simm.s32 $0x10100;
	s11 =	rddreg [dreg:$0xa];
	[sflag:s18] =	ssyncadd.s32 $0xFFFFFFE0  }
0xbc: {  	[tilespmem:s5], [sflag:$0x2] =	stream.linear.gather [hbm4b:s11+s2], $0x1000, $0x38;
	[tilespmem:$0x12100] =	vst v63  }
0xbd: {  	_ =	swait.ge [sflag:s18], $0x1000  }
0xbe: {  	[sflag:s18] =	ssyncset.done $0x0  }
0xbf: {  	s13 =	simm.s32 $0x11100;
	s12 =	rddreg [dreg:$0xb];
	[sflag:s18] =	ssyncadd.s32 $0xFFFFF000  }
0xc0: {  	[tilespmem:s13], [sflag:$0x2] =	stream.linear.gather [hbm4b:s12+s2], $0x1000, $0x38;
	[tilespmem:$0x12100] =	vst v63  }
0xc1: {  	_ =	swait.ge [sflag:s18], $0x1000  }
0xc2: {  	[sflag:s18] =	ssyncset.done $0x0  }
0xc3: {  	[sflag:s18] =	ssyncadd.s32 $0xFFFFF000  }
0xc4: {  	v3 =	vld [tilespmem:$0x0];
	_ =	sdelay $0x4  }
0xc5: {  	v4 =	vshll.u32 v3, $0x3  }
0xc6: {  	v3 =	vand.u32 $0x7, v3;
	v4 =	vand.u32 $0xFFFFFFC0, v4  }
0xc7: {  	v3 =	vor.u32 v3, v4  }
0xc8: {  	v4 =	vperm.xlane v3, v0;
	_ =	sdelay $0x1  }
0xc9: {  	v4 =	vadd.s32 v1, v4;
	_ =	sdelay $0x4  }
0xca: {  	[tilespmem:s22], [sflag:$0x1] =	stream.indirect_vreg.gather [hbm4b:s3+s2], $0x80, v4, vm0, $0xb8;
	[tilespmem:$0x12100] =	vst v63  }
0xcb: {  	s6 =	simm.s32 $0x900;
	v3 =	vperm.xlane v3, v2  }
0xcc: {  	[tilespmem:s6], [sflag:$0x1] =	stream.indirect_vreg.gather [hbm4b:s8+s2], $0x80, v4, vm0, $0xb8;
	[tilespmem:$0x12100] =	vst v63  }
0xcd: {  	s7 =	simm.s32 $0x1100;
	v3 =	vadd.s32 v1, v3  }
0xce: {  	[tilespmem:s7], [sflag:$0x1] =	stream.indirect_vreg.gather [hbm4b:s9+s2], $0x80, v4, vm0, $0xb8;
	[tilespmem:$0x12100] =	vst v63  }
0xcf: {  	s11 =	simm.s32 $0x1900  }
0xd0: {  	[tilespmem:s11], [sflag:$0x1] =	stream.indirect_vreg.gather [hbm4b:s10+s2], $0x80, v4, vm0, $0xb8;
	[tilespmem:$0x12100] =	vst v63  }
0xd1: {  	s12 =	simm.s32 $0x2100  }
0xd2: {  	[tilespmem:s12], [sflag:$0x1] =	stream.indirect_vreg.gather [hbm4b:s3+s2], $0x80, v3, vm0, $0xb8;
	[tilespmem:$0x12100] =	vst v63  }
0xd3: {  	s13 =	simm.s32 $0x2900  }
0xd4: {  	[tilespmem:s13], [sflag:$0x1] =	stream.indirect_vreg.gather [hbm4b:s8+s2], $0x80, v3, vm0, $0xb8;
	[tilespmem:$0x12100] =	vst v63  }
0xd5: {  	s5 =	simm.s32 $0x3100  }
0xd6: {  	[tilespmem:s5], [sflag:$0x1] =	stream.indirect_vreg.gather [hbm4b:s9+s2], $0x80, v3, vm0, $0xb8;
	[tilespmem:$0x12100] =	vst v63  }
0xd7: {  	s6 =	simm.s32 $0x3900  }
0xd8: {  	[tilespmem:s6], [sflag:$0x1] =	stream.indirect_vreg.gather [hbm4b:s10+s2], $0x80, v3, vm0, $0xb8;
	[tilespmem:$0x12100] =	vst v63  }
0xd9: {  	v3 =	vld [tilespmem:$0x10];
	_ =	sdelay $0x4  }
0xda: {  	v61 =	vshll.u32 v3, $0x3  }
0xdb: {  	v3 =	vand.u32 $0x7, v3;
	v4 =	vand.u32 $0xFFFFFFC0, v61  }
0xdc: {  	v3 =	vor.u32 v3, v4  }
0xdd: {  	v4 =	vperm.xlane v3, v0;
	_ =	sdelay $0x1  }
0xde: {  	v4 =	vadd.s32 v1, v4;
	_ =	sdelay $0x3  }
0xdf: {  	s7 =	simm.s32 $0x4100  }
0xe0: {  	[tilespmem:s7], [sflag:$0x1] =	stream.indirect_vreg.gather [hbm4b:s3+s2], $0x80, v4, vm0, $0xb8;
	[tilespmem:$0x12100] =	vst v63  }
0xe1: {  	s11 =	simm.s32 $0x4900;
	v3 =	vperm.xlane v3, v2  }
0xe2: {  	[tilespmem:s11], [sflag:$0x1] =	stream.indirect_vreg.gather [hbm4b:s8+s2], $0x80, v4, vm0, $0xb8;
	[tilespmem:$0x12100] =	vst v63  }
0xe3: {  	s12 =	simm.s32 $0x5100;
	v3 =	vadd.s32 v1, v3  }
0xe4: {  	[tilespmem:s12], [sflag:$0x1] =	stream.indirect_vreg.gather [hbm4b:s9+s2], $0x80, v4, vm0, $0xb8;
	[tilespmem:$0x12100] =	vst v63  }
0xe5: {  	s13 =	simm.s32 $0x5900  }
0xe6: {  	[tilespmem:s13], [sflag:$0x1] =	stream.indirect_vreg.gather [hbm4b:s10+s2], $0x80, v4, vm0, $0xb8;
	[tilespmem:$0x12100] =	vst v63  }
0xe7: {  	s5 =	simm.s32 $0x6100  }
0xe8: {  	[tilespmem:s5], [sflag:$0x1] =	stream.indirect_vreg.gather [hbm4b:s3+s2], $0x80, v3, vm0, $0xb8;
	[tilespmem:$0x12100] =	vst v63  }
0xe9: {  	s6 =	simm.s32 $0x6900  }
0xea: {  	[tilespmem:s6], [sflag:$0x1] =	stream.indirect_vreg.gather [hbm4b:s8+s2], $0x80, v3, vm0, $0xb8;
	[tilespmem:$0x12100] =	vst v63  }
0xeb: {  	s7 =	simm.s32 $0x7100  }
0xec: {  	[tilespmem:s7], [sflag:$0x1] =	stream.indirect_vreg.gather [hbm4b:s9+s2], $0x80, v3, vm0, $0xb8;
	[tilespmem:$0x12100] =	vst v63  }
0xed: {  	s11 =	simm.s32 $0x7900  }
0xee: {  	[tilespmem:s11], [sflag:$0x1] =	stream.indirect_vreg.gather [hbm4b:s10+s2], $0x80, v3, vm0, $0xb8;
	[tilespmem:$0x12100] =	vst v63  }
0xef: {  	v3 =	vld [tilespmem:$0x80];
	_ =	sdelay $0x4  }
0xf0: {  	v62 =	vshll.u32 v3, $0x3  }
0xf1: {  	v3 =	vand.u32 $0x7, v3;
	v4 =	vand.u32 $0xFFFFFFC0, v62  }
0xf2: {  	v3 =	vor.u32 v3, v4  }
0xf3: {  	v4 =	vperm.xlane v3, v0;
	_ =	sdelay $0x1  }
0xf4: {  	v4 =	vadd.s32 v1, v4;
	_ =	sdelay $0x3  }
0xf5: {  	s12 =	simm.s32 $0x8100  }
0xf6: {  	[tilespmem:s12], [sflag:$0x1] =	stream.indirect_vreg.gather [hbm4b:s3+s2], $0x80, v4, vm0, $0xb8;
	[tilespmem:$0x12100] =	vst v63  }
0xf7: {  	s13 =	simm.s32 $0x8900;
	v3 =	vperm.xlane v3, v2  }
0xf8: {  	[tilespmem:s13], [sflag:$0x1] =	stream.indirect_vreg.gather [hbm4b:s8+s2], $0x80, v4, vm0, $0xb8;
	[tilespmem:$0x12100] =	vst v63  }
0xf9: {  	v3 =	vadd.s32 v1, v3  }
0xfa: {  	[tilespmem:s19], [sflag:$0x1] =	stream.indirect_vreg.gather [hbm4b:s9+s2], $0x80, v4, vm0, $0xb8;
	[tilespmem:$0x12100] =	vst v63  }
0xfb: {  	_ = 	snop  }
0xfc: {  	[tilespmem:s20], [sflag:$0x1] =	stream.indirect_vreg.gather [hbm4b:s10+s2], $0x80, v4, vm0, $0xb8;
	[tilespmem:$0x12100] =	vst v63  }
0xfd: {  	_ = 	snop  }
0xfe: {  	[tilespmem:s21], [sflag:$0x1] =	stream.indirect_vreg.gather [hbm4b:s3+s2], $0x80, v3, vm0, $0xb8;
	[tilespmem:$0x12100] =	vst v63  }
0xff: {  	_ = 	snop  }
0x100: {  	[tilespmem:s14], [sflag:$0x1] =	stream.indirect_vreg.gather [hbm4b:s8+s2], $0x80, v3, vm0, $0xb8;
	[tilespmem:$0x12100] =	vst v63  }
0x101: {  	_ = 	snop  }
0x102: {  	[tilespmem:s15], [sflag:$0x1] =	stream.indirect_vreg.gather [hbm4b:s9+s2], $0x80, v3, vm0, $0xb8;
	[tilespmem:$0x12100] =	vst v63  }
0x103: {  	_ = 	snop  }
0x104: {  	[tilespmem:s23], [sflag:$0x1] =	stream.indirect_vreg.gather [hbm4b:s10+s2], $0x80, v3, vm0, $0xb8;
	[tilespmem:$0x12100] =	vst v63  }
0x105: {  	v3 =	vld [tilespmem:$0x90];
	_ =	sdelay $0x4  }
0x106: {  	v63 =	vshll.u32 v3, $0x3  }
0x107: {  	v3 =	vand.u32 $0x7, v3;
	v4 =	vand.u32 $0xFFFFFFC0, v63  }
0x108: {  	v3 =	vor.u32 v3, v4  }
0x109: {  	v4 =	vperm.xlane v3, v0;
	_ =	sdelay $0x1  }
0x10a: {  	v4 =	vadd.s32 v1, v4;
	_ =	sdelay $0x4  }
0x10b: {  	[tilespmem:s16], [sflag:$0x1] =	stream.indirect_vreg.gather [hbm4b:s3+s2], $0x80, v4, vm0, $0xb8;
	[tilespmem:$0x12100] =	vst v63  }
0x10c: {  	v3 =	vperm.xlane v3, v2  }
0x10d: {  	[tilespmem:s24], [sflag:$0x1] =	stream.indirect_vreg.gather [hbm4b:s8+s2], $0x80, v4, vm0, $0xb8;
	[tilespmem:$0x12100] =	vst v63  }
0x10e: {  	v3 =	vadd.s32 v1, v3  }
0x10f: {  	[tilespmem:s17], [sflag:$0x1] =	stream.indirect_vreg.gather [hbm4b:s9+s2], $0x80, v4, vm0, $0xb8;
	[tilespmem:$0x12100] =	vst v63  }
0x110: {  	_ = 	snop  }
0x111: {  	[tilespmem:s25], [sflag:$0x1] =	stream.indirect_vreg.gather [hbm4b:s10+s2], $0x80, v4, vm0, $0xb8;
	[tilespmem:$0x12100] =	vst v63  }
0x112: {  	_ = 	snop  }
0x113: {  	[tilespmem:s26], [sflag:$0x1] =	stream.indirect_vreg.gather [hbm4b:s3+s2], $0x80, v3, vm0, $0xb8;
	[tilespmem:$0x12100] =	vst v63  }
0x114: {  	_ = 	snop  }
0x115: {  	[tilespmem:s28], [sflag:$0x1] =	stream.indirect_vreg.gather [hbm4b:s8+s2], $0x80, v3, vm0, $0xb8;
	[tilespmem:$0x12100] =	vst v63  }
0x116: {  	_ = 	snop  }
0x117: {  	[tilespmem:s29], [sflag:$0x1] =	stream.indirect_vreg.gather [hbm4b:s9+s2], $0x80, v3, vm0, $0xb8;
	[tilespmem:$0x12100] =	vst v63  }
0x118: {  	_ = 	snop  }
0x119: {  	[tilespmem:s30], [sflag:$0x1] =	stream.indirect_vreg.gather [hbm4b:s10+s2], $0x80, v3, vm0, $0xb8;
	[tilespmem:$0x12100] =	vst v63  }
0x11a: {  	_ =	swait.ge [sflag:s31], $0x8000  }
0x11b: {  	[sflag:s31] =	ssyncset.done $0x0  }
0x11c: {  	[sflag:s31] =	ssyncadd.s32 $0xFFFF8000  }
0x11d: {  	_ =	swait.ge [sflag:s31], $0x8000  }
0x11e: {  	[sflag:s31] =	ssyncset.done $0x0  }
0x11f: {  	s4 =	simm.s32 $0x0;
	[sflag:s31] =	ssyncadd.s32 $0xFFFF8000  }
.LBB2_6:
0x120: {  	s6 =	sshll.u32 s4, $0x7;
	s5 =	sshll.u32 s4, $0xA  }
0x121: {  	s5 =	sand.u32 $0x6000, s5;
	s7 =	sand.u32 $0x380, s6  }
0x122: {  	s12 =	sand.u32 $0x40, s2;
	s5 =	sor.u32 s5, s7  }
0x123: {  	s11 =	sand.u32 $0x1C00, s2;
	v3 =	vld [tilespmem:s6+$0x10100];
	s7 =	sor.u32 s12, s5  }
0x124: {  	v4 =	vld [tilespmem:s6+$0x11100];
	s6 =	sor.u32 s11, s7  }
0x125: {  	v5 =	vld [tilespmem:s6+$0x8100]  }
0x126: {  	v7 =	vld [tilespmem:s6+$0x8110]  }
0x127: {  	v8 =	vld [tilespmem:s6+$0x8120]  }
0x128: {  	v6 =	vld [tilespmem:s6+$0x100]  }
0x129: {  	v9 =	vld [tilespmem:s6+$0x8130]  }
0x12a: {  	v10 =	vld [tilespmem:s6+$0x110]  }
0x12b: {  	s13 =	simm.s32 $0x40;
	v11 =	vld [tilespmem:s6+$0x120]  }
0x12c: {  	s7 =	sand.u32 $0x40, s13;
	s11 =	simm.s32 $0x200;
	v12 =	vld [tilespmem:s6+$0x130]  }
0x12d: {  	s12 =	sand.u32 $0x1C00, s11;
	s7 =	sor.u32 s7, s5  }
0x12e: {  	s7 =	sor.u32 s12, s7;
	v13 =	vmul.f32 v6, v3;
	v14 =	vmul.f32 v5, v4  }
0x12f: {  	v6 =	vld [tilespmem:s7+$0x8100];
	v10 =	vmul.f32 v10, v3;
	v15 =	vmul.f32 v7, v4  }
0x130: {  	v5 =	vld [tilespmem:s7+$0x8110];
	v11 =	vmul.f32 v11, v3;
	v63 =	vmul.f32 v8, v4;
	v13 =	vadd.f32 v14, v13  }
0x131: {  	v7 =	vld [tilespmem:s7+$0x8120];
	v12 =	vmul.f32 v12, v3;
	v16 =	vmul.f32 v9, v4;
	v15 =	vadd.f32 v15, v10  }
0x132: {  	v8 =	vld [tilespmem:s7+$0x8130];
	v10 =	vadd.f32 v63, v11;
	[tilespmem:s6+$0x100] =	vst v13  }
0x133: {  	s12 =	simm.s32 $0x80;
	v11 =	vadd.f32 v16, v12;
	v9 =	vld [tilespmem:s7+$0x100];
	[tilespmem:s6+$0x110] =	vst v15  }
.LBB2_7:
0x134: {  	p0 =	sne.s32 s12, $0x3C0;
	v12 =	vld [tilespmem:s7+$0x110];
	[tilespmem:s6+$0x120] =	vst v10  }
0x135: {  	v10 =	vld [tilespmem:s7+$0x120];
	[tilespmem:s6+$0x130] =	vst v11;
	s6 =	smov.u32 s7  }
0x136: {  	s11 =	sadd.s32 $0x200, s11;
	s7 =	sand.u32 $0x40, s12;
	v11 =	vld [tilespmem:s6+$0x130]  }
0x137: {  	s13 =	sand.u32 $0x1C00, s11;
	s7 =	sor.u32 s7, s5  }
0x138: {  	v13 =	vmul.f32 v6, v4;
	s7 =	sor.u32 s13, s7;
	v9 =	vmul.f32 v9, v3  }
.Ltmp2:
0x139: {  	v14 =	vmul.f32 v5, v4;
	v6 =	vld [tilespmem:s7+$0x8100];
	v12 =	vmul.f32 v12, v3;
	(pc) =	sbr.rel @p0 .LBB2_7-.Ltmp2, $4  }
0x13a: {  	v5 =	vld [tilespmem:s7+$0x8110];
	v9 =	vadd.f32 v13, v9;
	v10 =	vmul.f32 v10, v3;
	v13 =	vmul.f32 v7, v4  }
0x13b: {  	v7 =	vld [tilespmem:s7+$0x8120];
	v12 =	vadd.f32 v14, v12;
	v11 =	vmul.f32 v11, v3;
	v14 =	vmul.f32 v8, v4  }
0x13c: {  	v8 =	vld [tilespmem:s7+$0x8130];
	[tilespmem:s6+$0x100] =	vst v9;
	v10 =	vadd.f32 v13, v10  }
0x13d: {  	s12 =	sadd.s32 $0x40, s12;
	v9 =	vld [tilespmem:s7+$0x100];
	[tilespmem:s6+$0x110] =	vst v12;
	v11 =	vadd.f32 v14, v11  }
0x13e: {  	v12 =	vld [tilespmem:s7+$0x110];
	[tilespmem:s6+$0x120] =	vst v10  }
0x13f: {  	v10 =	vld [tilespmem:s7+$0x120];
	[tilespmem:s6+$0x130] =	vst v11  }
0x140: {  	v11 =	vld [tilespmem:s7+$0x130];
	_ =	sdelay $0x1  }
0x141: {  	v6 =	vmul.f32 v6, v4;
	v9 =	vmul.f32 v9, v3  }
0x142: {  	s4 =	sadd.s32 $0x1, s4;
	v5 =	vmul.f32 v5, v4;
	v12 =	vmul.f32 v12, v3  }
0x143: {  	p0 =	sne.s32 s4, $0x20;
	v7 =	vmul.f32 v7, v4;
	v6 =	vadd.f32 v6, v9;
	v61 =	vmul.f32 v10, v3  }
.Ltmp3:
0x144: {  	v62 =	vmul.f32 v8, v4;
	v5 =	vadd.f32 v5, v12;
	v3 =	vmul.f32 v11, v3;
	(pc) =	sbr.rel @p0 .LBB2_6-.Ltmp3, $4  }
0x145: {  	[tilespmem:s7+$0x100] =	vst v6;
	v63 =	vadd.f32 v7, v61  }
0x146: {  	[tilespmem:s7+$0x110] =	vst v5;
	v3 =	vadd.f32 v62, v3  }
0x147: {  	[tilespmem:s7+$0x120] =	vst v63  }
0x148: {  	[tilespmem:s7+$0x130] =	vst v3  }
0x149: {  	s2 =	rddreg [dreg:$0xc]  }
0x14a: {  	[hbm4b:s2+s1] =	stream.linear.scatter [tilespmem:s22], [sflag:$0x2], $0x8000, $0x38;
	[tilespmem:$0x12100] =	vst v63  }
0x14b: {  	_ =	swait.ge [sflag:s18], $0x8000  }
0x14c: {  	s0 =	sadd.s32 $0x1, s0;
	s13 =	rddreg [dreg:$0xd]  }
0x14d: {  	p0 =	sne.s32 s0, s13  }
.Ltmp4:
0x14e: {  	_ = 	snop;
	(pc) =	sbr.rel @p0 .LBB2_1-.Ltmp4, $3  }
0x14f: {  	_ =	sdelay $0x1  }
0x150: {  	[sflag:s18] =	ssyncset.done $0x0  }
0x151: {  	[sflag:s18] =	ssyncadd.s32 $0xFFFF8000;
	s13 =	simm.s32 $0x80  }
0x152: {  	_ =	sfence.sel $0x180000  }
0x153: {  	[bflag:$0x0] =	sbarrier.arrive $0xFFFF  }
0x154: {  	_ =	strace $0x9000004A  }
0x155: {  	s0 =	stileid.u32;
	[bflag:$0x2] =	sbarrier.arrive $0xFFFF  }
0x156: {  	p0 =	sne.s32 s0, $0x0;
	s0 =	rddreg [dreg:$0x2]  }
0x157: {  	s0 =	sadd.s32 @!p0 $0x100000, s0  }
0x158: {  	[sflag:s0] =	ssyncadd.tile.s32 @!p0 $0x1;
	_ =	shalt  }
.Lfunc_end2:
_tile_overlayer_lowered:
.L_overlay_start_2:
0x159: {  	(tag) =	ssettag $0x2  }
0x15a: {  	s0 =	rddreg [dreg:$0x0];
	s2 =	stileid.u32  }
0x15b: {  	s1 =	rddreg [dreg:$0x1];
	p0 =	sne.s32 s2, $0x0  }
0x15c: {  	s3 =	rddreg [dreg:$0x2];
	[bflag:$0x3] =	sbarrier.arrive $0xFFFF;
	s2 =	simm.s32 @!p0 $0x1C02  }
0x15d: {  	[timem:s3], [sflag:s2] =	dma.local @!p0 [hbm:s0], s1  }
0x15e: {  	s0 =	simm.s32 @!p0 $0x2  }
0x15f: {  	_ =	swait.ge @!p0 [sflag:s0], s1  }
0x160: {  	s1 =	ssub.s32 @!p0 $0x0, s1;
	[sflag:s0] =	ssyncset.done @!p0 $0x0  }
0x161: {  	[sflag:s0] =	ssyncadd.s32 @!p0 s1  }
0x162: {  	[bflag:$0x3] =	sbarrier.arrive $0xFFFF  }
0x163: {  	_ =	shalt  }

</sc_bundles>
